<compile_context>
chip_gen: v7x
topology: tpu7x:2x2x1
jax: 0.10.2.dev20260603
libtpu: 0.0.44.dev20260713+nightly
codegen_flags: <defaults>
</compile_context>

<pallas_src>
import functools

import jax
import jax.numpy as jnp
from jax import lax
from jax.experimental import pallas as pl
from jax.experimental.pallas import tpu as pltpu
from jax.experimental.pallas import tpu_sc as plsc

_DIM = 64
_SCALE = 8.0
_LANES = 16
_CHUNK = 256
_BB = 128


def _widen_table_t(table_t):
    v = table_t.shape[1]
    block = 2048
    nfull = v // block
    tail = v - nfull * block
    tail_main = (tail // 128) * 128
    tail_rest = tail - tail_main
    grid = nfull + (1 if tail else 0)
    tail_cols = lax.slice(table_t, (0, v - tail_rest), (_DIM, v))

    def body(x_hbm, t_ref, o_hbm, xbuf, obuf, isem0, isem1, osem0, osem1):
        isems = (isem0, isem1)
        osems = (osem0, osem1)
        eye = jnp.eye(_DIM, dtype=jnp.float32)

        def in_copy(c, slot):
            return pltpu.make_async_copy(
                x_hbm.at[:, pl.ds(pl.multiple_of(c * block, block), block)],
                xbuf.at[slot],
                isems[slot],
            )

        def out_copy(c, slot):
            return pltpu.make_async_copy(
                obuf.at[slot],
                o_hbm.at[pl.ds(pl.multiple_of(c * block, block), block)],
                osems[slot],
            )

        def compute(c, slot):
            xt = lax.dot_general(
                xbuf[slot],
                eye,
                (((0,), (0,)), ((), ())),
                preferred_element_type=jnp.float32,
            )
            obuf[slot] = jnp.concatenate([xt, xt], axis=1)
            out_copy(c, slot).start()

        in_copy(0, 0).start()

        def pair_body(p, carry):
            for b in range(2):
                c = 2 * p + b
                nb = 1 - b

                @pl.when(c + 1 < nfull)
                def _next():
                    in_copy(c + 1, nb).start()

                in_copy(c, b).wait()

                @pl.when(c >= 2)
                def _drain():
                    out_copy(c - 2, b).wait()

                compute(c, b)
            return carry

        lax.fori_loop(0, nfull // 2, pair_body, 0)

        if tail:
            cp = pltpu.make_async_copy(
                x_hbm.at[:, pl.ds(nfull * block, tail_main)],
                xbuf.at[0].at[:, pl.ds(0, tail_main)],
                isems[0],
            )
            cp.start()
            cp.wait()
            xbuf[0, :, pl.ds(tail_main, tail_rest)] = t_ref[...]
            out_copy(nfull - 2, 0).wait()
            compute(nfull, 0)
            out_copy(nfull, 0).wait()
            out_copy(nfull - 1, 1).wait()
        else:
            out_copy(nfull - 2, 0).wait()
            out_copy(nfull - 1, 1).wait()

    return pl.pallas_call(
        body,
        grid=(1,),
        in_specs=[
            pl.BlockSpec(memory_space=pl.ANY),
            pl.BlockSpec((_DIM, tail_rest), lambda i: (0, 0)),
        ],
        out_specs=pl.BlockSpec(memory_space=pl.ANY),
        out_shape=jax.ShapeDtypeStruct((grid * block, 2 * _DIM), jnp.float32),
        scratch_shapes=[
            pltpu.VMEM((2, _DIM, block), jnp.float32),
            pltpu.VMEM((2, block, 2 * _DIM), jnp.float32),
            pltpu.SemaphoreType.DMA,
            pltpu.SemaphoreType.DMA,
            pltpu.SemaphoreType.DMA,
            pltpu.SemaphoreType.DMA,
        ],
    )(table_t, tail_cols)


def _transpose_out(packed, b, h):
    j_half = h // 2
    rows_per_blk = _BB * j_half

    def body(x_ref, o_ref):
        x = x_ref[...]
        eye = jnp.eye(128, dtype=jnp.float32)
        for j in range(j_half):
            blk = x[j * 128 : (j + 1) * 128, :]
            t = lax.dot_general(
                blk,
                eye,
                (((0,), (0,)), ((), ())),
                preferred_element_type=jnp.float32,
            )
            o_ref[2 * j, :, :] = t[:_DIM, :]
            o_ref[2 * j + 1, :, :] = t[_DIM:, :]

    return pl.pallas_call(
        body,
        grid=(b // _BB,),
        in_specs=[pl.BlockSpec((rows_per_blk, 128), lambda i: (i, 0))],
        out_specs=pl.BlockSpec((h, _DIM, _BB), lambda i: (0, 0, i)),
        out_shape=jax.ShapeDtypeStruct((h, _DIM, b), jnp.float32),
    )(packed)


def _scatter_rows(batch_flat, h):
    j_half = h // 2
    n_rows = batch_flat * _DIM // 128
    p = jnp.arange(n_rows, dtype=jnp.int32)
    b = p // j_half
    j = p % j_half
    orow = (b // _BB) * (_BB * j_half) + j * _BB + (b % _BB)
    return orow.reshape(n_rows // 128, 128)


@functools.lru_cache(maxsize=None)
def _make_gather_kernel(batch_flat: int, h: int):
    info = plsc.get_sparse_core_info()
    nc, ns = info.num_cores, info.num_subcores
    nw = nc * ns
    assert batch_flat % nw == 0
    b_per_w = batch_flat // nw
    chunk = _CHUNK
    assert b_per_w % (2 * chunk) == 0
    n_chunks = b_per_w // chunk
    vecs_per_row = _DIM // _LANES
    pack_rows = chunk * _DIM // 128

    mesh = plsc.VectorSubcoreMesh(core_axis_name="c", subcore_axis_name="s")

    @functools.partial(
        pl.kernel,
        mesh=mesh,
        out_type=jax.ShapeDtypeStruct((batch_flat * _DIM // 128, 128), jnp.float32),
        scratch_types=[
            pltpu.VMEM((b_per_w,), jnp.int32),
            pltpu.VMEM((2, chunk, 128), jnp.float32),
            pltpu.VMEM((pack_rows, 128), jnp.float32),
            pltpu.VMEM((pack_rows,), jnp.int32),
            pltpu.SemaphoreType.DMA,
            pltpu.SemaphoreType.DMA,
            pltpu.SemaphoreType.DMA,
        ],
    )
    def k(
        ids_hbm,
        table_hbm,
        orows_hbm,
        out_hbm,
        idx_v,
        rows_v,
        pack_v,
        orow_v,
        gsem0,
        gsem1,
        osem,
    ):
        wid = lax.axis_index("s") * nc + lax.axis_index("c")
        base = pl.multiple_of(wid * b_per_w, b_per_w)
        chunk0 = pl.multiple_of(wid * n_chunks, n_chunks)
        gsems = (gsem0, gsem1)

        pltpu.sync_copy(ids_hbm.at[pl.ds(base, b_per_w)], idx_v)
        pltpu.async_copy(
            table_hbm.at[idx_v.at[pl.ds(0, chunk)]], rows_v.at[0], gsem0
        )

        def pair_body(p, carry):
            for b in range(2):
                g = 2 * p + b
                nb = 1 - b

                @pl.when(g + 1 < n_chunks)
                def _start_next():
                    pltpu.async_copy(
                        table_hbm.at[
                            idx_v.at[
                                pl.ds(pl.multiple_of((g + 1) * chunk, chunk), chunk)
                            ]
                        ],
                        rows_v.at[nb],
                        gsems[nb],
                    )

                pltpu.sync_copy(orows_hbm.at[chunk0 + g], orow_v)

                pltpu.make_async_copy(
                    table_hbm.at[idx_v.at[pl.ds(0, chunk)]],
                    rows_v.at[b],
                    gsems[b],
                ).wait()

                gbuf = rows_v.at[b]

                @plsc.parallel_loop(0, chunk, unroll=4)
                def _scale_row(r):
                    half = (r % 2) * _DIM
                    for v in range(vecs_per_row):
                        pack_v[r // 2, pl.ds(half + v * _LANES, _LANES)] = (
                            gbuf[r, pl.ds(v * _LANES, _LANES)] * _SCALE
                        )

                pltpu.async_copy(pack_v, out_hbm.at[orow_v], osem).wait()
            return carry

        lax.fori_loop(0, n_chunks // 2, pair_body, 0)

    return k


def kernel(input_ids, table):
    b, h = input_ids.shape
    flat_ids = input_ids.reshape(b * h).astype(jnp.int32)
    table128 = _widen_table_t(table.T)
    orows = _scatter_rows(b * h, h)
    packed = _make_gather_kernel(b * h, h)(flat_ids, table128, orows)
    fin = _transpose_out(packed, b, h)
    return jnp.transpose(fin, (2, 0, 1))

# --- scband reference (transcript-rebuilt; emitter-appended) ---
"""Pipeline reference for scband-scaled-embedding-68899865362585 (READ-ONLY COPY).

The authoritative reference and input builder live on the scoring server;
editing this copy changes nothing except your own understanding.
"""

import jax, jax.numpy as jnp
import numpy as np

VOCAB = 1000000
EMBED_DIM = 64
BATCH = 16384
HIST = 50
MULTIPLIER = 8.0

def setup_inputs(seed: int = 0) -> dict:
    key = jax.random.key(seed)
    k_idx, k_tab = jax.random.split(key)
    input_ids = jax.random.randint(k_idx, (BATCH, HIST), 0, VOCAB, dtype=jnp.int64 if jax.config.jax_enable_x64 else jnp.int32)
    table = jax.random.normal(k_tab, (VOCAB, EMBED_DIM), dtype=jnp.float32) * 0.02
    return {"input_ids": input_ids, "table": table}

def reference(input_ids, table):
    # embedding lookup followed by scalar multiplier, faithful to ScaledEmbedding.forward
    emb = jnp.take(table, input_ids, axis=0)
    return emb * MULTIPLIER

if __name__ == "__main__":
    import jax
    _d = setup_inputs()
    print(jax.jit(kernel)(*tuple(_d.values())))

</pallas_src>

<mosaic_0001>
#map = affine_map<(d0, d1) -> (0)>
#map1 = affine_map<(d0, d1) -> (0, 0)>
module attributes {stable_mosaic.version = 14 : i64} {
  func.func @k(%arg0: i32, %arg1: i32, %arg2: memref<819200xi32, #tpu.memory_space<hbm>>, %arg3: memref<1001472x128xf32, #tpu.memory_space<hbm>>, %arg4: memref<3200x128xi32, #tpu.memory_space<hbm>>, %arg5: memref<409600x128xf32, #tpu.memory_space<hbm>>, %arg6: memref<25600xi32, #tpu.memory_space<vmem>>, %arg7: memref<2x256x128xf32, #tpu.memory_space<vmem>>, %arg8: memref<128x128xf32, #tpu.memory_space<vmem>>, %arg9: memref<128xi32, #tpu.memory_space<vmem>>, %arg10: memref<!tpu.dma_semaphore, #tpu.memory_space<semaphore_mem>>, %arg11: memref<!tpu.dma_semaphore, #tpu.memory_space<semaphore_mem>>, %arg12: memref<!tpu.dma_semaphore, #tpu.memory_space<semaphore_mem>>) attributes {dimension_semantics = [#tpu.dimension_semantics<core_parallel>, #tpu.dimension_semantics<subcore_parallel>], iteration_bounds = array<i64: 2, 16>, scalar_prefetch = 0 : i64, scratch_operands = 7 : i64, tpu.core_type = #tpu.core_type<sc_vector_subcore>, window_params = [{transform_indices = #map}, {transform_indices = #map1}, {transform_indices = #map1}, {transform_indices = #map1}]} {
    %mul3A = arith.constant 2 : i32
    %mul3A_0 = arith.muli %arg1, %mul3A : i32
    %add3A = arith.addi %mul3A_0, %arg0 : i32
    %mul3A_1 = arith.constant 25600 : i32
    %mul3A_2 = arith.muli %add3A, %mul3A_1 : i32
    %multiple_of3A = tpu.assume_multiple %mul3A_2, 25600 : i32
    %mul3A_3 = arith.constant 100 : i32
    %mul3A_4 = arith.muli %add3A, %mul3A_3 : i32
    %multiple_of3A_5 = tpu.assume_multiple %mul3A_4, 100 : i32
    "tpu.region"() ({
      %run_scoped3A = tpu.sem_alloc : memref<!tpu.dma_semaphore, #tpu.memory_space<semaphore_mem>>
      %dma_start3A_20 = tpu.memref_slice %arg2[%multiple_of3A] : memref<819200xi32, #tpu.memory_space<hbm>> -> memref<25600xi32, #tpu.memory_space<hbm>>
      %dma_start3A_21 = tpu.memref_slice %arg2[%multiple_of3A] : memref<819200xi32, #tpu.memory_space<hbm>> -> memref<25600xi32, #tpu.memory_space<hbm>>
      tpu.enqueue_dma source(%dma_start3A_21 : memref<25600xi32, #tpu.memory_space<hbm>>) target(%arg6 : memref<25600xi32, #tpu.memory_space<vmem>>) target_semaphore(%run_scoped3A : memref<!tpu.dma_semaphore, #tpu.memory_space<semaphore_mem>>)
      %dma_wait3A = tpu.memref_slice %arg2[%multiple_of3A] : memref<819200xi32, #tpu.memory_space<hbm>> -> memref<25600xi32, #tpu.memory_space<hbm>>
      %dma_wait3A_22 = tpu.memref_slice %arg2[%multiple_of3A] : memref<819200xi32, #tpu.memory_space<hbm>> -> memref<25600xi32, #tpu.memory_space<hbm>>
      tpu.wait_dma2 semaphore(%run_scoped3A : memref<!tpu.dma_semaphore, #tpu.memory_space<semaphore_mem>>) src(%dma_wait3A_22 : memref<25600xi32, #tpu.memory_space<hbm>>) dst(%arg6 : memref<25600xi32, #tpu.memory_space<vmem>>)
      tpu.yield
    }) : () -> ()
    %dma_start3A = arith.constant 0 : i32
    %dma_start3A_6 = arith.constant 0 : i32
    %dma_start3A_7 = arith.constant 0 : i32
    %dma_start3A_8 = tpu.memref_slice %arg7[%dma_start3A, %dma_start3A_6, %dma_start3A_7] : memref<2x256x128xf32, #tpu.memory_space<vmem>> -> memref<1x256x128xf32, #tpu.memory_space<vmem>>
    %dma_start3A_9 = tpu.memref_squeeze %dma_start3A_8 : memref<1x256x128xf32, #tpu.memory_space<vmem>> -> memref<256x128xf32, #tpu.memory_space<vmem>>
    %dma_start3A_10 = arith.constant 0 : i32
    %dma_start3A_11 = tpu.memref_slice %arg6[%dma_start3A_10] : memref<25600xi32, #tpu.memory_space<vmem>> -> memref<256xi32, #tpu.memory_space<vmem>>
    %dma_start3A_12 = arith.constant 0 : i32
    %dma_start3A_13 = arith.constant 0 : i32
    %dma_start3A_14 = tpu.memref_slice %arg3[%dma_start3A_12, %dma_start3A_13] : memref<1001472x128xf32, #tpu.memory_space<hbm>> -> memref<1001472x128xf32, #tpu.memory_space<hbm>>
    tpu.enqueue_indirect_dma source(%dma_start3A_14 : memref<1001472x128xf32, #tpu.memory_space<hbm>>) target(%dma_start3A_9 : memref<256x128xf32, #tpu.memory_space<vmem>>) offsets(%dma_start3A_11 : memref<256xi32, #tpu.memory_space<vmem>>) semaphore(%arg10 : memref<!tpu.dma_semaphore, #tpu.memory_space<semaphore_mem>>)
    %scan3A = arith.constant 0 : i32
    %scan3A_15 = arith.constant 0 : i32
    %scan3A_16 = arith.constant 50 : i32
    %scan3A_17 = arith.addi %scan3A_15, %scan3A_16 : i32
    %scan3A_18 = arith.constant 1 : i32
    scf.for %scan3A_20 = %scan3A_15 to %scan3A_17 step %scan3A_18  : i32 {
      %mul3A_21 = arith.constant 2 : i32
      %mul3A_22 = arith.muli %mul3A_21, %scan3A_20 : i32
      %add3A_23 = arith.constant 0 : i32
      %add3A_24 = arith.addi %mul3A_22, %add3A_23 : i32
      %add3A_25 = arith.constant 1 : i32
      %add3A_26 = arith.addi %add3A_24, %add3A_25 : i32
      %lt3A = arith.constant 100 : i32
      %lt3A_27 = arith.cmpi slt, %add3A_26, %lt3A : i32
      %convert_element_type3A = arith.extui %lt3A_27 : i1 to i32
      %cond3A = arith.constant 0 : i32
      %cond3A_28 = arith.cmpi ne, %convert_element_type3A, %cond3A : i32
      scf.if %cond3A_28 {
        %add3A_80 = arith.constant 1 : i32
        %add3A_81 = arith.addi %add3A_24, %add3A_80 : i32
        %mul3A_82 = arith.constant 256 : i32
        %mul3A_83 = arith.muli %add3A_81, %mul3A_82 : i32
        %multiple_of3A_84 = tpu.assume_multiple %mul3A_83, 256 : i32
        %dma_start3A_85 = arith.constant 1 : i32
        %dma_start3A_86 = arith.constant 0 : i32
        %dma_start3A_87 = arith.constant 0 : i32
        %dma_start3A_88 = tpu.memref_slice %arg7[%dma_start3A_85, %dma_start3A_86, %dma_start3A_87] : memref<2x256x128xf32, #tpu.memory_space<vmem>> -> memref<1x256x128xf32, #tpu.memory_space<vmem>>
        %dma_start3A_89 = tpu.memref_squeeze %dma_start3A_88 : memref<1x256x128xf32, #tpu.memory_space<vmem>> -> memref<256x128xf32, #tpu.memory_space<vmem>>
        %dma_start3A_90 = tpu.memref_slice %arg6[%multiple_of3A_84] : memref<25600xi32, #tpu.memory_space<vmem>> -> memref<256xi32, #tpu.memory_space<vmem>>
        %dma_start3A_91 = arith.constant 0 : i32
        %dma_start3A_92 = arith.constant 0 : i32
        %dma_start3A_93 = tpu.memref_slice %arg3[%dma_start3A_91, %dma_start3A_92] : memref<1001472x128xf32, #tpu.memory_space<hbm>> -> memref<1001472x128xf32, #tpu.memory_space<hbm>>
        tpu.enqueue_indirect_dma source(%dma_start3A_93 : memref<1001472x128xf32, #tpu.memory_space<hbm>>) target(%dma_start3A_89 : memref<256x128xf32, #tpu.memory_space<vmem>>) offsets(%dma_start3A_90 : memref<256xi32, #tpu.memory_space<vmem>>) semaphore(%arg11 : memref<!tpu.dma_semaphore, #tpu.memory_space<semaphore_mem>>)
      } else {
      }
      %add3A_29 = arith.addi %multiple_of3A_5, %add3A_24 : i32
      "tpu.region"() ({
        %run_scoped3A = tpu.sem_alloc : memref<!tpu.dma_semaphore, #tpu.memory_space<semaphore_mem>>
        %dma_start3A_80 = arith.constant 0 : i32
        %dma_start3A_81 = tpu.memref_slice %arg4[%add3A_29, %dma_start3A_80] : memref<3200x128xi32, #tpu.memory_space<hbm>> -> memref<1x128xi32, #tpu.memory_space<hbm>>
        %dma_start3A_82 = tpu.memref_squeeze %dma_start3A_81 : memref<1x128xi32, #tpu.memory_space<hbm>> -> memref<128xi32, #tpu.memory_space<hbm>>
        %dma_start3A_83 = arith.constant 0 : i32
        %dma_start3A_84 = tpu.memref_slice %arg4[%add3A_29, %dma_start3A_83] : memref<3200x128xi32, #tpu.memory_space<hbm>> -> memref<1x128xi32, #tpu.memory_space<hbm>>
        %dma_start3A_85 = tpu.memref_squeeze %dma_start3A_84 : memref<1x128xi32, #tpu.memory_space<hbm>> -> memref<128xi32, #tpu.memory_space<hbm>>
        tpu.enqueue_dma source(%dma_start3A_85 : memref<128xi32, #tpu.memory_space<hbm>>) target(%arg9 : memref<128xi32, #tpu.memory_space<vmem>>) target_semaphore(%run_scoped3A : memref<!tpu.dma_semaphore, #tpu.memory_space<semaphore_mem>>)
        %dma_wait3A_86 = arith.constant 0 : i32
        %dma_wait3A_87 = tpu.memref_slice %arg4[%add3A_29, %dma_wait3A_86] : memref<3200x128xi32, #tpu.memory_space<hbm>> -> memref<1x128xi32, #tpu.memory_space<hbm>>
        %dma_wait3A_88 = tpu.memref_squeeze %dma_wait3A_87 : memref<1x128xi32, #tpu.memory_space<hbm>> -> memref<128xi32, #tpu.memory_space<hbm>>
        %dma_wait3A_89 = arith.constant 0 : i32
        %dma_wait3A_90 = tpu.memref_slice %arg4[%add3A_29, %dma_wait3A_89] : memref<3200x128xi32, #tpu.memory_space<hbm>> -> memref<1x128xi32, #tpu.memory_space<hbm>>
        %dma_wait3A_91 = tpu.memref_squeeze %dma_wait3A_90 : memref<1x128xi32, #tpu.memory_space<hbm>> -> memref<128xi32, #tpu.memory_space<hbm>>
        tpu.wait_dma2 semaphore(%run_scoped3A : memref<!tpu.dma_semaphore, #tpu.memory_space<semaphore_mem>>) src(%dma_wait3A_91 : memref<128xi32, #tpu.memory_space<hbm>>) dst(%arg9 : memref<128xi32, #tpu.memory_space<vmem>>)
        tpu.yield
      }) : () -> ()
      %dma_wait3A = arith.constant 0 : i32
      %dma_wait3A_30 = arith.constant 0 : i32
      %dma_wait3A_31 = arith.constant 0 : i32
      %dma_wait3A_32 = tpu.memref_slice %arg7[%dma_wait3A, %dma_wait3A_30, %dma_wait3A_31] : memref<2x256x128xf32, #tpu.memory_space<vmem>> -> memref<1x256x128xf32, #tpu.memory_space<vmem>>
      %dma_wait3A_33 = tpu.memref_squeeze %dma_wait3A_32 : memref<1x256x128xf32, #tpu.memory_space<vmem>> -> memref<256x128xf32, #tpu.memory_space<vmem>>
      %dma_wait3A_34 = arith.constant 0 : i32
      %dma_wait3A_35 = tpu.memref_slice %arg6[%dma_wait3A_34] : memref<25600xi32, #tpu.memory_space<vmem>> -> memref<256xi32, #tpu.memory_space<vmem>>
      %dma_wait3A_36 = arith.constant 0 : i32
      %dma_wait3A_37 = arith.constant 0 : i32
      %dma_wait3A_38 = tpu.memref_slice %arg3[%dma_wait3A_36, %dma_wait3A_37] : memref<1001472x128xf32, #tpu.memory_space<hbm>> -> memref<1001472x128xf32, #tpu.memory_space<hbm>>
      tpu.wait_indirect_dma semaphore(%arg10 : memref<!tpu.dma_semaphore, #tpu.memory_space<semaphore_mem>>) src(%dma_wait3A_38 : memref<1001472x128xf32, #tpu.memory_space<hbm>>) dst(%dma_wait3A_33 : memref<256x128xf32, #tpu.memory_space<vmem>>)
      %parallel_loop3A = arith.constant 0 : i32
      %parallel_loop3A_39 = arith.constant 256 : i32
      %parallel_loop3A_40 = arith.constant 1 : i32
      %parallel_loop3A_41 = arith.constant 0 : i32
      scf.for %parallel_loop3A_80 = %parallel_loop3A to %parallel_loop3A_39 step %parallel_loop3A_40  : i32 {
        %parallel_loop3A_81 = arith.constant 2 : i32
        %parallel_loop3A_82 = arith.constant 0 : i32
        %parallel_loop3A_83 = arith.cmpi eq, %parallel_loop3A_81, %parallel_loop3A_82 : i32
        %parallel_loop3A_84 = arith.constant 1 : i32
        %parallel_loop3A_85 = arith.select %parallel_loop3A_83, %parallel_loop3A_84, %parallel_loop3A_81 : i32
        %parallel_loop3A_86 = arith.remsi %parallel_loop3A_80, %parallel_loop3A_85 : i32
        %parallel_loop3A_87 = arith.constant 0 : i32
        %parallel_loop3A_88 = arith.cmpi ne, %parallel_loop3A_86, %parallel_loop3A_87 : i32
        %parallel_loop3A_89 = arith.constant 0 : i32
        %parallel_loop3A_90 = arith.cmpi slt, %parallel_loop3A_86, %parallel_loop3A_89 : i32
        %parallel_loop3A_91 = arith.constant 0 : i32
        %parallel_loop3A_92 = arith.cmpi slt, %parallel_loop3A_85, %parallel_loop3A_91 : i32
        %parallel_loop3A_93 = arith.xori %parallel_loop3A_90, %parallel_loop3A_92 : i1
        %parallel_loop3A_94 = arith.andi %parallel_loop3A_93, %parallel_loop3A_88 : i1
        %parallel_loop3A_95 = arith.addi %parallel_loop3A_86, %parallel_loop3A_85 : i32
        %parallel_loop3A_96 = arith.select %parallel_loop3A_94, %parallel_loop3A_95, %parallel_loop3A_86 : i32
        %parallel_loop3A_97 = arith.constant 64 : i32
        %parallel_loop3A_98 = arith.muli %parallel_loop3A_96, %parallel_loop3A_97 : i32
        %parallel_loop3A_99 = arith.constant 0 : i32
        %parallel_loop3A_100 = arith.constant 0 : i32
        %parallel_loop3A_101 = tpu.memref_slice %arg7[%parallel_loop3A_41, %parallel_loop3A_99, %parallel_loop3A_100] : memref<2x256x128xf32, #tpu.memory_space<vmem>> -> memref<1x256x128xf32, #tpu.memory_space<vmem>>
        %parallel_loop3A_102 = tpu.memref_squeeze %parallel_loop3A_101 : memref<1x256x128xf32, #tpu.memory_space<vmem>> -> memref<256x128xf32, #tpu.memory_space<vmem>>
        %parallel_loop3A_103 = arith.index_cast %parallel_loop3A_80 : i32 to index
        %parallel_loop3A_104 = arith.constant 0 : index
        %parallel_loop3A_105 = tpu.vector_load %parallel_loop3A_102[%parallel_loop3A_103, %parallel_loop3A_104] {strides = array<i32>} : memref<256x128xf32, #tpu.memory_space<vmem>>, vector<1x16xf32>,
        %parallel_loop3A_106 = vector.shape_cast %parallel_loop3A_105 : vector<1x16xf32> to vector<16xf32>
        %parallel_loop3A_107 = arith.constant 8.000000e+00 : f32
        %parallel_loop3A_108 = vector.broadcast %parallel_loop3A_107 : f32 to vector<16xf32>
        %parallel_loop3A_109 = arith.mulf %parallel_loop3A_106, %parallel_loop3A_108 : vector<16xf32>
        %parallel_loop3A_110 = arith.constant 2 : i32
        %parallel_loop3A_111 = arith.divsi %parallel_loop3A_80, %parallel_loop3A_110 : i32
        %parallel_loop3A_112 = arith.constant 0 : i32
        %parallel_loop3A_113 = arith.cmpi sgt, %parallel_loop3A_80, %parallel_loop3A_112 : i32
        %parallel_loop3A_114 = arith.extui %parallel_loop3A_113 : i1 to i32
        %parallel_loop3A_115 = arith.constant 0 : i32
        %parallel_loop3A_116 = arith.cmpi slt, %parallel_loop3A_80, %parallel_loop3A_115 : i32
        %parallel_loop3A_117 = arith.extui %parallel_loop3A_116 : i1 to i32
        %parallel_loop3A_118 = arith.subi %parallel_loop3A_114, %parallel_loop3A_117 : i32
        %parallel_loop3A_119 = arith.constant 0 : i32
        %parallel_loop3A_120 = arith.cmpi sgt, %parallel_loop3A_110, %parallel_loop3A_119 : i32
        %parallel_loop3A_121 = arith.extui %parallel_loop3A_120 : i1 to i32
        %parallel_loop3A_122 = arith.constant 0 : i32
        %parallel_loop3A_123 = arith.cmpi slt, %parallel_loop3A_110, %parallel_loop3A_122 : i32
        %parallel_loop3A_124 = arith.extui %parallel_loop3A_123 : i1 to i32
        %parallel_loop3A_125 = arith.subi %parallel_loop3A_121, %parallel_loop3A_124 : i32
        %parallel_loop3A_126 = arith.cmpi ne, %parallel_loop3A_118, %parallel_loop3A_125 : i32
        %parallel_loop3A_127 = arith.remsi %parallel_loop3A_80, %parallel_loop3A_110 : i32
        %parallel_loop3A_128 = arith.constant 0 : i32
        %parallel_loop3A_129 = arith.cmpi ne, %parallel_loop3A_127, %parallel_loop3A_128 : i32
        %parallel_loop3A_130 = arith.andi %parallel_loop3A_126, %parallel_loop3A_129 : i1
        %parallel_loop3A_131 = arith.constant 1 : i32
        %parallel_loop3A_132 = arith.subi %parallel_loop3A_111, %parallel_loop3A_131 : i32
        %parallel_loop3A_133 = arith.select %parallel_loop3A_130, %parallel_loop3A_132, %parallel_loop3A_111 : i32
        %parallel_loop3A_134 = arith.constant 0 : i32
        %parallel_loop3A_135 = arith.addi %parallel_loop3A_98, %parallel_loop3A_134 : i32
        %parallel_loop3A_136 = arith.index_cast %parallel_loop3A_133 : i32 to index
        %parallel_loop3A_137 = arith.index_cast %parallel_loop3A_135 : i32 to index
        %parallel_loop3A_138 = tpu.vector_load %arg8[%parallel_loop3A_136, %parallel_loop3A_137] {strides = array<i32>} : memref<128x128xf32, #tpu.memory_space<vmem>>, vector<1x16xf32>,
        %parallel_loop3A_139 = vector.shape_cast %parallel_loop3A_138 : vector<1x16xf32> to vector<16xf32>
        %parallel_loop3A_140 = vector.shape_cast %parallel_loop3A_109 : vector<16xf32> to vector<1x16xf32>
        tpu.vector_store %arg8[%parallel_loop3A_136, %parallel_loop3A_137], %parallel_loop3A_140 {strides = array<i32>} : memref<128x128xf32, #tpu.memory_space<vmem>>, vector<1x16xf32>,
        %parallel_loop3A_141 = arith.constant 0 : i32
        %parallel_loop3A_142 = arith.constant 0 : i32
        %parallel_loop3A_143 = tpu.memref_slice %arg7[%parallel_loop3A_41, %parallel_loop3A_141, %parallel_loop3A_142] : memref<2x256x128xf32, #tpu.memory_space<vmem>> -> memref<1x256x128xf32, #tpu.memory_space<vmem>>
        %parallel_loop3A_144 = tpu.memref_squeeze %parallel_loop3A_143 : memref<1x256x128xf32, #tpu.memory_space<vmem>> -> memref<256x128xf32, #tpu.memory_space<vmem>>
        %parallel_loop3A_145 = arith.index_cast %parallel_loop3A_80 : i32 to index
        %parallel_loop3A_146 = arith.constant 16 : index
        %parallel_loop3A_147 = tpu.vector_load %parallel_loop3A_144[%parallel_loop3A_145, %parallel_loop3A_146] {strides = array<i32>} : memref<256x128xf32, #tpu.memory_space<vmem>>, vector<1x16xf32>,
        %parallel_loop3A_148 = vector.shape_cast %parallel_loop3A_147 : vector<1x16xf32> to vector<16xf32>
        %parallel_loop3A_149 = arith.constant 8.000000e+00 : f32
        %parallel_loop3A_150 = vector.broadcast %parallel_loop3A_149 : f32 to vector<16xf32>
        %parallel_loop3A_151 = arith.mulf %parallel_loop3A_148, %parallel_loop3A_150 : vector<16xf32>
        %parallel_loop3A_152 = arith.constant 2 : i32
        %parallel_loop3A_153 = arith.divsi %parallel_loop3A_80, %parallel_loop3A_152 : i32
        %parallel_loop3A_154 = arith.constant 0 : i32
        %parallel_loop3A_155 = arith.cmpi sgt, %parallel_loop3A_80, %parallel_loop3A_154 : i32
        %parallel_loop3A_156 = arith.extui %parallel_loop3A_155 : i1 to i32
        %parallel_loop3A_157 = arith.constant 0 : i32
        %parallel_loop3A_158 = arith.cmpi slt, %parallel_loop3A_80, %parallel_loop3A_157 : i32
        %parallel_loop3A_159 = arith.extui %parallel_loop3A_158 : i1 to i32
        %parallel_loop3A_160 = arith.subi %parallel_loop3A_156, %parallel_loop3A_159 : i32
        %parallel_loop3A_161 = arith.constant 0 : i32
        %parallel_loop3A_162 = arith.cmpi sgt, %parallel_loop3A_152, %parallel_loop3A_161 : i32
        %parallel_loop3A_163 = arith.extui %parallel_loop3A_162 : i1 to i32
        %parallel_loop3A_164 = arith.constant 0 : i32
        %parallel_loop3A_165 = arith.cmpi slt, %parallel_loop3A_152, %parallel_loop3A_164 : i32
        %parallel_loop3A_166 = arith.extui %parallel_loop3A_165 : i1 to i32
        %parallel_loop3A_167 = arith.subi %parallel_loop3A_163, %parallel_loop3A_166 : i32
        %parallel_loop3A_168 = arith.cmpi ne, %parallel_loop3A_160, %parallel_loop3A_167 : i32
        %parallel_loop3A_169 = arith.remsi %parallel_loop3A_80, %parallel_loop3A_152 : i32
        %parallel_loop3A_170 = arith.constant 0 : i32
        %parallel_loop3A_171 = arith.cmpi ne, %parallel_loop3A_169, %parallel_loop3A_170 : i32
        %parallel_loop3A_172 = arith.andi %parallel_loop3A_168, %parallel_loop3A_171 : i1
        %parallel_loop3A_173 = arith.constant 1 : i32
        %parallel_loop3A_174 = arith.subi %parallel_loop3A_153, %parallel_loop3A_173 : i32
        %parallel_loop3A_175 = arith.select %parallel_loop3A_172, %parallel_loop3A_174, %parallel_loop3A_153 : i32
        %parallel_loop3A_176 = arith.constant 16 : i32
        %parallel_loop3A_177 = arith.addi %parallel_loop3A_98, %parallel_loop3A_176 : i32
        %parallel_loop3A_178 = arith.index_cast %parallel_loop3A_175 : i32 to index
        %parallel_loop3A_179 = arith.index_cast %parallel_loop3A_177 : i32 to index
        %parallel_loop3A_180 = tpu.vector_load %arg8[%parallel_loop3A_178, %parallel_loop3A_179] {strides = array<i32>} : memref<128x128xf32, #tpu.memory_space<vmem>>, vector<1x16xf32>,
        %parallel_loop3A_181 = vector.shape_cast %parallel_loop3A_180 : vector<1x16xf32> to vector<16xf32>
        %parallel_loop3A_182 = vector.shape_cast %parallel_loop3A_151 : vector<16xf32> to vector<1x16xf32>
        tpu.vector_store %arg8[%parallel_loop3A_178, %parallel_loop3A_179], %parallel_loop3A_182 {strides = array<i32>} : memref<128x128xf32, #tpu.memory_space<vmem>>, vector<1x16xf32>,
        %parallel_loop3A_183 = arith.constant 0 : i32
        %parallel_loop3A_184 = arith.constant 0 : i32
        %parallel_loop3A_185 = tpu.memref_slice %arg7[%parallel_loop3A_41, %parallel_loop3A_183, %parallel_loop3A_184] : memref<2x256x128xf32, #tpu.memory_space<vmem>> -> memref<1x256x128xf32, #tpu.memory_space<vmem>>
        %parallel_loop3A_186 = tpu.memref_squeeze %parallel_loop3A_185 : memref<1x256x128xf32, #tpu.memory_space<vmem>> -> memref<256x128xf32, #tpu.memory_space<vmem>>
        %parallel_loop3A_187 = arith.index_cast %parallel_loop3A_80 : i32 to index
        %parallel_loop3A_188 = arith.constant 32 : index
        %parallel_loop3A_189 = tpu.vector_load %parallel_loop3A_186[%parallel_loop3A_187, %parallel_loop3A_188] {strides = array<i32>} : memref<256x128xf32, #tpu.memory_space<vmem>>, vector<1x16xf32>,
        %parallel_loop3A_190 = vector.shape_cast %parallel_loop3A_189 : vector<1x16xf32> to vector<16xf32>
        %parallel_loop3A_191 = arith.constant 8.000000e+00 : f32
        %parallel_loop3A_192 = vector.broadcast %parallel_loop3A_191 : f32 to vector<16xf32>
        %parallel_loop3A_193 = arith.mulf %parallel_loop3A_190, %parallel_loop3A_192 : vector<16xf32>
        %parallel_loop3A_194 = arith.constant 2 : i32
        %parallel_loop3A_195 = arith.divsi %parallel_loop3A_80, %parallel_loop3A_194 : i32
        %parallel_loop3A_196 = arith.constant 0 : i32
        %parallel_loop3A_197 = arith.cmpi sgt, %parallel_loop3A_80, %parallel_loop3A_196 : i32
        %parallel_loop3A_198 = arith.extui %parallel_loop3A_197 : i1 to i32
        %parallel_loop3A_199 = arith.constant 0 : i32
        %parallel_loop3A_200 = arith.cmpi slt, %parallel_loop3A_80, %parallel_loop3A_199 : i32
        %parallel_loop3A_201 = arith.extui %parallel_loop3A_200 : i1 to i32
        %parallel_loop3A_202 = arith.subi %parallel_loop3A_198, %parallel_loop3A_201 : i32
        %parallel_loop3A_203 = arith.constant 0 : i32
        %parallel_loop3A_204 = arith.cmpi sgt, %parallel_loop3A_194, %parallel_loop3A_203 : i32
        %parallel_loop3A_205 = arith.extui %parallel_loop3A_204 : i1 to i32
        %parallel_loop3A_206 = arith.constant 0 : i32
        %parallel_loop3A_207 = arith.cmpi slt, %parallel_loop3A_194, %parallel_loop3A_206 : i32
        %parallel_loop3A_208 = arith.extui %parallel_loop3A_207 : i1 to i32
        %parallel_loop3A_209 = arith.subi %parallel_loop3A_205, %parallel_loop3A_208 : i32
        %parallel_loop3A_210 = arith.cmpi ne, %parallel_loop3A_202, %parallel_loop3A_209 : i32
        %parallel_loop3A_211 = arith.remsi %parallel_loop3A_80, %parallel_loop3A_194 : i32
        %parallel_loop3A_212 = arith.constant 0 : i32
        %parallel_loop3A_213 = arith.cmpi ne, %parallel_loop3A_211, %parallel_loop3A_212 : i32
        %parallel_loop3A_214 = arith.andi %parallel_loop3A_210, %parallel_loop3A_213 : i1
        %parallel_loop3A_215 = arith.constant 1 : i32
        %parallel_loop3A_216 = arith.subi %parallel_loop3A_195, %parallel_loop3A_215 : i32
        %parallel_loop3A_217 = arith.select %parallel_loop3A_214, %parallel_loop3A_216, %parallel_loop3A_195 : i32
        %parallel_loop3A_218 = arith.constant 32 : i32
        %parallel_loop3A_219 = arith.addi %parallel_loop3A_98, %parallel_loop3A_218 : i32
        %parallel_loop3A_220 = arith.index_cast %parallel_loop3A_217 : i32 to index
        %parallel_loop3A_221 = arith.index_cast %parallel_loop3A_219 : i32 to index
        %parallel_loop3A_222 = tpu.vector_load %arg8[%parallel_loop3A_220, %parallel_loop3A_221] {strides = array<i32>} : memref<128x128xf32, #tpu.memory_space<vmem>>, vector<1x16xf32>,
        %parallel_loop3A_223 = vector.shape_cast %parallel_loop3A_222 : vector<1x16xf32> to vector<16xf32>
        %parallel_loop3A_224 = vector.shape_cast %parallel_loop3A_193 : vector<16xf32> to vector<1x16xf32>
        tpu.vector_store %arg8[%parallel_loop3A_220, %parallel_loop3A_221], %parallel_loop3A_224 {strides = array<i32>} : memref<128x128xf32, #tpu.memory_space<vmem>>, vector<1x16xf32>,
        %parallel_loop3A_225 = arith.constant 0 : i32
        %parallel_loop3A_226 = arith.constant 0 : i32
        %parallel_loop3A_227 = tpu.memref_slice %arg7[%parallel_loop3A_41, %parallel_loop3A_225, %parallel_loop3A_226] : memref<2x256x128xf32, #tpu.memory_space<vmem>> -> memref<1x256x128xf32, #tpu.memory_space<vmem>>
        %parallel_loop3A_228 = tpu.memref_squeeze %parallel_loop3A_227 : memref<1x256x128xf32, #tpu.memory_space<vmem>> -> memref<256x128xf32, #tpu.memory_space<vmem>>
        %parallel_loop3A_229 = arith.index_cast %parallel_loop3A_80 : i32 to index
        %parallel_loop3A_230 = arith.constant 48 : index
        %parallel_loop3A_231 = tpu.vector_load %parallel_loop3A_228[%parallel_loop3A_229, %parallel_loop3A_230] {strides = array<i32>} : memref<256x128xf32, #tpu.memory_space<vmem>>, vector<1x16xf32>,
        %parallel_loop3A_232 = vector.shape_cast %parallel_loop3A_231 : vector<1x16xf32> to vector<16xf32>
        %parallel_loop3A_233 = arith.constant 8.000000e+00 : f32
        %parallel_loop3A_234 = vector.broadcast %parallel_loop3A_233 : f32 to vector<16xf32>
        %parallel_loop3A_235 = arith.mulf %parallel_loop3A_232, %parallel_loop3A_234 : vector<16xf32>
        %parallel_loop3A_236 = arith.constant 2 : i32
        %parallel_loop3A_237 = arith.divsi %parallel_loop3A_80, %parallel_loop3A_236 : i32
        %parallel_loop3A_238 = arith.constant 0 : i32
        %parallel_loop3A_239 = arith.cmpi sgt, %parallel_loop3A_80, %parallel_loop3A_238 : i32
        %parallel_loop3A_240 = arith.extui %parallel_loop3A_239 : i1 to i32
        %parallel_loop3A_241 = arith.constant 0 : i32
        %parallel_loop3A_242 = arith.cmpi slt, %parallel_loop3A_80, %parallel_loop3A_241 : i32
        %parallel_loop3A_243 = arith.extui %parallel_loop3A_242 : i1 to i32
        %parallel_loop3A_244 = arith.subi %parallel_loop3A_240, %parallel_loop3A_243 : i32
        %parallel_loop3A_245 = arith.constant 0 : i32
        %parallel_loop3A_246 = arith.cmpi sgt, %parallel_loop3A_236, %parallel_loop3A_245 : i32
        %parallel_loop3A_247 = arith.extui %parallel_loop3A_246 : i1 to i32
        %parallel_loop3A_248 = arith.constant 0 : i32
        %parallel_loop3A_249 = arith.cmpi slt, %parallel_loop3A_236, %parallel_loop3A_248 : i32
        %parallel_loop3A_250 = arith.extui %parallel_loop3A_249 : i1 to i32
        %parallel_loop3A_251 = arith.subi %parallel_loop3A_247, %parallel_loop3A_250 : i32
        %parallel_loop3A_252 = arith.cmpi ne, %parallel_loop3A_244, %parallel_loop3A_251 : i32
        %parallel_loop3A_253 = arith.remsi %parallel_loop3A_80, %parallel_loop3A_236 : i32
        %parallel_loop3A_254 = arith.constant 0 : i32
        %parallel_loop3A_255 = arith.cmpi ne, %parallel_loop3A_253, %parallel_loop3A_254 : i32
        %parallel_loop3A_256 = arith.andi %parallel_loop3A_252, %parallel_loop3A_255 : i1
        %parallel_loop3A_257 = arith.constant 1 : i32
        %parallel_loop3A_258 = arith.subi %parallel_loop3A_237, %parallel_loop3A_257 : i32
        %parallel_loop3A_259 = arith.select %parallel_loop3A_256, %parallel_loop3A_258, %parallel_loop3A_237 : i32
        %parallel_loop3A_260 = arith.constant 48 : i32
        %parallel_loop3A_261 = arith.addi %parallel_loop3A_98, %parallel_loop3A_260 : i32
        %parallel_loop3A_262 = arith.index_cast %parallel_loop3A_259 : i32 to index
        %parallel_loop3A_263 = arith.index_cast %parallel_loop3A_261 : i32 to index
        %parallel_loop3A_264 = tpu.vector_load %arg8[%parallel_loop3A_262, %parallel_loop3A_263] {strides = array<i32>} : memref<128x128xf32, #tpu.memory_space<vmem>>, vector<1x16xf32>,
        %parallel_loop3A_265 = vector.shape_cast %parallel_loop3A_264 : vector<1x16xf32> to vector<16xf32>
        %parallel_loop3A_266 = vector.shape_cast %parallel_loop3A_235 : vector<16xf32> to vector<1x16xf32>
        tpu.vector_store %arg8[%parallel_loop3A_262, %parallel_loop3A_263], %parallel_loop3A_266 {strides = array<i32>} : memref<128x128xf32, #tpu.memory_space<vmem>>, vector<1x16xf32>,
      } {sc.loop_unroll_factor = 4 : i64, sc.parallel_access}
      %dma_start3A_42 = arith.constant 0 : i32
      %dma_start3A_43 = arith.constant 0 : i32
      %dma_start3A_44 = tpu.memref_slice %arg5[%dma_start3A_42, %dma_start3A_43] : memref<409600x128xf32, #tpu.memory_space<hbm>> -> memref<409600x128xf32, #tpu.memory_space<hbm>>
      tpu.enqueue_indirect_dma source(%arg8 : memref<128x128xf32, #tpu.memory_space<vmem>>) target(%dma_start3A_44 : memref<409600x128xf32, #tpu.memory_space<hbm>>) offsets(%arg9 : memref<128xi32, #tpu.memory_space<vmem>>) semaphore(%arg12 : memref<!tpu.dma_semaphore, #tpu.memory_space<semaphore_mem>>)
      %dma_wait3A_45 = arith.constant 0 : i32
      %dma_wait3A_46 = arith.constant 0 : i32
      %dma_wait3A_47 = tpu.memref_slice %arg5[%dma_wait3A_45, %dma_wait3A_46] : memref<409600x128xf32, #tpu.memory_space<hbm>> -> memref<409600x128xf32, #tpu.memory_space<hbm>>
      tpu.wait_indirect_dma semaphore(%arg12 : memref<!tpu.dma_semaphore, #tpu.memory_space<semaphore_mem>>) src(%arg8 : memref<128x128xf32, #tpu.memory_space<vmem>>) dst(%dma_wait3A_47 : memref<409600x128xf32, #tpu.memory_space<hbm>>)
      %mul3A_48 = arith.constant 2 : i32
      %mul3A_49 = arith.muli %mul3A_48, %scan3A_20 : i32
      %add3A_50 = arith.constant 1 : i32
      %add3A_51 = arith.addi %mul3A_49, %add3A_50 : i32
      %add3A_52 = arith.constant 1 : i32
      %add3A_53 = arith.addi %add3A_51, %add3A_52 : i32
      %lt3A_54 = arith.constant 100 : i32
      %lt3A_55 = arith.cmpi slt, %add3A_53, %lt3A_54 : i32
      %convert_element_type3A_56 = arith.extui %lt3A_55 : i1 to i32
      %cond3A_57 = arith.constant 0 : i32
      %cond3A_58 = arith.cmpi ne, %convert_element_type3A_56, %cond3A_57 : i32
      scf.if %cond3A_58 {
        %add3A_80 = arith.constant 1 : i32
        %add3A_81 = arith.addi %add3A_51, %add3A_80 : i32
        %mul3A_82 = arith.constant 256 : i32
        %mul3A_83 = arith.muli %add3A_81, %mul3A_82 : i32
        %multiple_of3A_84 = tpu.assume_multiple %mul3A_83, 256 : i32
        %dma_start3A_85 = arith.constant 0 : i32
        %dma_start3A_86 = arith.constant 0 : i32
        %dma_start3A_87 = arith.constant 0 : i32
        %dma_start3A_88 = tpu.memref_slice %arg7[%dma_start3A_85, %dma_start3A_86, %dma_start3A_87] : memref<2x256x128xf32, #tpu.memory_space<vmem>> -> memref<1x256x128xf32, #tpu.memory_space<vmem>>
        %dma_start3A_89 = tpu.memref_squeeze %dma_start3A_88 : memref<1x256x128xf32, #tpu.memory_space<vmem>> -> memref<256x128xf32, #tpu.memory_space<vmem>>
        %dma_start3A_90 = tpu.memref_slice %arg6[%multiple_of3A_84] : memref<25600xi32, #tpu.memory_space<vmem>> -> memref<256xi32, #tpu.memory_space<vmem>>
        %dma_start3A_91 = arith.constant 0 : i32
        %dma_start3A_92 = arith.constant 0 : i32
        %dma_start3A_93 = tpu.memref_slice %arg3[%dma_start3A_91, %dma_start3A_92] : memref<1001472x128xf32, #tpu.memory_space<hbm>> -> memref<1001472x128xf32, #tpu.memory_space<hbm>>
        tpu.enqueue_indirect_dma source(%dma_start3A_93 : memref<1001472x128xf32, #tpu.memory_space<hbm>>) target(%dma_start3A_89 : memref<256x128xf32, #tpu.memory_space<vmem>>) offsets(%dma_start3A_90 : memref<256xi32, #tpu.memory_space<vmem>>) semaphore(%arg10 : memref<!tpu.dma_semaphore, #tpu.memory_space<semaphore_mem>>)
      } else {
      }
      %add3A_59 = arith.addi %multiple_of3A_5, %add3A_51 : i32
      "tpu.region"() ({
        %run_scoped3A = tpu.sem_alloc : memref<!tpu.dma_semaphore, #tpu.memory_space<semaphore_mem>>
        %dma_start3A_80 = arith.constant 0 : i32
        %dma_start3A_81 = tpu.memref_slice %arg4[%add3A_59, %dma_start3A_80] : memref<3200x128xi32, #tpu.memory_space<hbm>> -> memref<1x128xi32, #tpu.memory_space<hbm>>
        %dma_start3A_82 = tpu.memref_squeeze %dma_start3A_81 : memref<1x128xi32, #tpu.memory_space<hbm>> -> memref<128xi32, #tpu.memory_space<hbm>>
        %dma_start3A_83 = arith.constant 0 : i32
        %dma_start3A_84 = tpu.memref_slice %arg4[%add3A_59, %dma_start3A_83] : memref<3200x128xi32, #tpu.memory_space<hbm>> -> memref<1x128xi32, #tpu.memory_space<hbm>>
        %dma_start3A_85 = tpu.memref_squeeze %dma_start3A_84 : memref<1x128xi32, #tpu.memory_space<hbm>> -> memref<128xi32, #tpu.memory_space<hbm>>
        tpu.enqueue_dma source(%dma_start3A_85 : memref<128xi32, #tpu.memory_space<hbm>>) target(%arg9 : memref<128xi32, #tpu.memory_space<vmem>>) target_semaphore(%run_scoped3A : memref<!tpu.dma_semaphore, #tpu.memory_space<semaphore_mem>>)
        %dma_wait3A_86 = arith.constant 0 : i32
        %dma_wait3A_87 = tpu.memref_slice %arg4[%add3A_59, %dma_wait3A_86] : memref<3200x128xi32, #tpu.memory_space<hbm>> -> memref<1x128xi32, #tpu.memory_space<hbm>>
        %dma_wait3A_88 = tpu.memref_squeeze %dma_wait3A_87 : memref<1x128xi32, #tpu.memory_space<hbm>> -> memref<128xi32, #tpu.memory_space<hbm>>
        %dma_wait3A_89 = arith.constant 0 : i32
        %dma_wait3A_90 = tpu.memref_slice %arg4[%add3A_59, %dma_wait3A_89] : memref<3200x128xi32, #tpu.memory_space<hbm>> -> memref<1x128xi32, #tpu.memory_space<hbm>>
        %dma_wait3A_91 = tpu.memref_squeeze %dma_wait3A_90 : memref<1x128xi32, #tpu.memory_space<hbm>> -> memref<128xi32, #tpu.memory_space<hbm>>
        tpu.wait_dma2 semaphore(%run_scoped3A : memref<!tpu.dma_semaphore, #tpu.memory_space<semaphore_mem>>) src(%dma_wait3A_91 : memref<128xi32, #tpu.memory_space<hbm>>) dst(%arg9 : memref<128xi32, #tpu.memory_space<vmem>>)
        tpu.yield
      }) : () -> ()
      %dma_wait3A_60 = arith.constant 1 : i32
      %dma_wait3A_61 = arith.constant 0 : i32
      %dma_wait3A_62 = arith.constant 0 : i32
      %dma_wait3A_63 = tpu.memref_slice %arg7[%dma_wait3A_60, %dma_wait3A_61, %dma_wait3A_62] : memref<2x256x128xf32, #tpu.memory_space<vmem>> -> memref<1x256x128xf32, #tpu.memory_space<vmem>>
      %dma_wait3A_64 = tpu.memref_squeeze %dma_wait3A_63 : memref<1x256x128xf32, #tpu.memory_space<vmem>> -> memref<256x128xf32, #tpu.memory_space<vmem>>
      %dma_wait3A_65 = arith.constant 0 : i32
      %dma_wait3A_66 = tpu.memref_slice %arg6[%dma_wait3A_65] : memref<25600xi32, #tpu.memory_space<vmem>> -> memref<256xi32, #tpu.memory_space<vmem>>
      %dma_wait3A_67 = arith.constant 0 : i32
      %dma_wait3A_68 = arith.constant 0 : i32
      %dma_wait3A_69 = tpu.memref_slice %arg3[%dma_wait3A_67, %dma_wait3A_68] : memref<1001472x128xf32, #tpu.memory_space<hbm>> -> memref<1001472x128xf32, #tpu.memory_space<hbm>>
      tpu.wait_indirect_dma semaphore(%arg11 : memref<!tpu.dma_semaphore, #tpu.memory_space<semaphore_mem>>) src(%dma_wait3A_69 : memref<1001472x128xf32, #tpu.memory_space<hbm>>) dst(%dma_wait3A_64 : memref<256x128xf32, #tpu.memory_space<vmem>>)
      %parallel_loop3A_70 = arith.constant 0 : i32
      %parallel_loop3A_71 = arith.constant 256 : i32
      %parallel_loop3A_72 = arith.constant 1 : i32
      %parallel_loop3A_73 = arith.constant 1 : i32
      scf.for %parallel_loop3A_80 = %parallel_loop3A_70 to %parallel_loop3A_71 step %parallel_loop3A_72  : i32 {
        %parallel_loop3A_81 = arith.constant 2 : i32
        %parallel_loop3A_82 = arith.constant 0 : i32
        %parallel_loop3A_83 = arith.cmpi eq, %parallel_loop3A_81, %parallel_loop3A_82 : i32
        %parallel_loop3A_84 = arith.constant 1 : i32
        %parallel_loop3A_85 = arith.select %parallel_loop3A_83, %parallel_loop3A_84, %parallel_loop3A_81 : i32
        %parallel_loop3A_86 = arith.remsi %parallel_loop3A_80, %parallel_loop3A_85 : i32
        %parallel_loop3A_87 = arith.constant 0 : i32
        %parallel_loop3A_88 = arith.cmpi ne, %parallel_loop3A_86, %parallel_loop3A_87 : i32
        %parallel_loop3A_89 = arith.constant 0 : i32
        %parallel_loop3A_90 = arith.cmpi slt, %parallel_loop3A_86, %parallel_loop3A_89 : i32
        %parallel_loop3A_91 = arith.constant 0 : i32
        %parallel_loop3A_92 = arith.cmpi slt, %parallel_loop3A_85, %parallel_loop3A_91 : i32
        %parallel_loop3A_93 = arith.xori %parallel_loop3A_90, %parallel_loop3A_92 : i1
        %parallel_loop3A_94 = arith.andi %parallel_loop3A_93, %parallel_loop3A_88 : i1
        %parallel_loop3A_95 = arith.addi %parallel_loop3A_86, %parallel_loop3A_85 : i32
        %parallel_loop3A_96 = arith.select %parallel_loop3A_94, %parallel_loop3A_95, %parallel_loop3A_86 : i32
        %parallel_loop3A_97 = arith.constant 64 : i32
        %parallel_loop3A_98 = arith.muli %parallel_loop3A_96, %parallel_loop3A_97 : i32
        %parallel_loop3A_99 = arith.constant 0 : i32
        %parallel_loop3A_100 = arith.constant 0 : i32
        %parallel_loop3A_101 = tpu.memref_slice %arg7[%parallel_loop3A_73, %parallel_loop3A_99, %parallel_loop3A_100] : memref<2x256x128xf32, #tpu.memory_space<vmem>> -> memref<1x256x128xf32, #tpu.memory_space<vmem>>
        %parallel_loop3A_102 = tpu.memref_squeeze %parallel_loop3A_101 : memref<1x256x128xf32, #tpu.memory_space<vmem>> -> memref<256x128xf32, #tpu.memory_space<vmem>>
        %parallel_loop3A_103 = arith.index_cast %parallel_loop3A_80 : i32 to index
        %parallel_loop3A_104 = arith.constant 0 : index
        %parallel_loop3A_105 = tpu.vector_load %parallel_loop3A_102[%parallel_loop3A_103, %parallel_loop3A_104] {strides = array<i32>} : memref<256x128xf32, #tpu.memory_space<vmem>>, vector<1x16xf32>,
        %parallel_loop3A_106 = vector.shape_cast %parallel_loop3A_105 : vector<1x16xf32> to vector<16xf32>
        %parallel_loop3A_107 = arith.constant 8.000000e+00 : f32
        %parallel_loop3A_108 = vector.broadcast %parallel_loop3A_107 : f32 to vector<16xf32>
        %parallel_loop3A_109 = arith.mulf %parallel_loop3A_106, %parallel_loop3A_108 : vector<16xf32>
        %parallel_loop3A_110 = arith.constant 2 : i32
        %parallel_loop3A_111 = arith.divsi %parallel_loop3A_80, %parallel_loop3A_110 : i32
        %parallel_loop3A_112 = arith.constant 0 : i32
        %parallel_loop3A_113 = arith.cmpi sgt, %parallel_loop3A_80, %parallel_loop3A_112 : i32
        %parallel_loop3A_114 = arith.extui %parallel_loop3A_113 : i1 to i32
        %parallel_loop3A_115 = arith.constant 0 : i32
        %parallel_loop3A_116 = arith.cmpi slt, %parallel_loop3A_80, %parallel_loop3A_115 : i32
        %parallel_loop3A_117 = arith.extui %parallel_loop3A_116 : i1 to i32
        %parallel_loop3A_118 = arith.subi %parallel_loop3A_114, %parallel_loop3A_117 : i32
        %parallel_loop3A_119 = arith.constant 0 : i32
        %parallel_loop3A_120 = arith.cmpi sgt, %parallel_loop3A_110, %parallel_loop3A_119 : i32
        %parallel_loop3A_121 = arith.extui %parallel_loop3A_120 : i1 to i32
        %parallel_loop3A_122 = arith.constant 0 : i32
        %parallel_loop3A_123 = arith.cmpi slt, %parallel_loop3A_110, %parallel_loop3A_122 : i32
        %parallel_loop3A_124 = arith.extui %parallel_loop3A_123 : i1 to i32
        %parallel_loop3A_125 = arith.subi %parallel_loop3A_121, %parallel_loop3A_124 : i32
        %parallel_loop3A_126 = arith.cmpi ne, %parallel_loop3A_118, %parallel_loop3A_125 : i32
        %parallel_loop3A_127 = arith.remsi %parallel_loop3A_80, %parallel_loop3A_110 : i32
        %parallel_loop3A_128 = arith.constant 0 : i32
        %parallel_loop3A_129 = arith.cmpi ne, %parallel_loop3A_127, %parallel_loop3A_128 : i32
        %parallel_loop3A_130 = arith.andi %parallel_loop3A_126, %parallel_loop3A_129 : i1
        %parallel_loop3A_131 = arith.constant 1 : i32
        %parallel_loop3A_132 = arith.subi %parallel_loop3A_111, %parallel_loop3A_131 : i32
        %parallel_loop3A_133 = arith.select %parallel_loop3A_130, %parallel_loop3A_132, %parallel_loop3A_111 : i32
        %parallel_loop3A_134 = arith.constant 0 : i32
        %parallel_loop3A_135 = arith.addi %parallel_loop3A_98, %parallel_loop3A_134 : i32
        %parallel_loop3A_136 = arith.index_cast %parallel_loop3A_133 : i32 to index
        %parallel_loop3A_137 = arith.index_cast %parallel_loop3A_135 : i32 to index
        %parallel_loop3A_138 = tpu.vector_load %arg8[%parallel_loop3A_136, %parallel_loop3A_137] {strides = array<i32>} : memref<128x128xf32, #tpu.memory_space<vmem>>, vector<1x16xf32>,
        %parallel_loop3A_139 = vector.shape_cast %parallel_loop3A_138 : vector<1x16xf32> to vector<16xf32>
        %parallel_loop3A_140 = vector.shape_cast %parallel_loop3A_109 : vector<16xf32> to vector<1x16xf32>
        tpu.vector_store %arg8[%parallel_loop3A_136, %parallel_loop3A_137], %parallel_loop3A_140 {strides = array<i32>} : memref<128x128xf32, #tpu.memory_space<vmem>>, vector<1x16xf32>,
        %parallel_loop3A_141 = arith.constant 0 : i32
        %parallel_loop3A_142 = arith.constant 0 : i32
        %parallel_loop3A_143 = tpu.memref_slice %arg7[%parallel_loop3A_73, %parallel_loop3A_141, %parallel_loop3A_142] : memref<2x256x128xf32, #tpu.memory_space<vmem>> -> memref<1x256x128xf32, #tpu.memory_space<vmem>>
        %parallel_loop3A_144 = tpu.memref_squeeze %parallel_loop3A_143 : memref<1x256x128xf32, #tpu.memory_space<vmem>> -> memref<256x128xf32, #tpu.memory_space<vmem>>
        %parallel_loop3A_145 = arith.index_cast %parallel_loop3A_80 : i32 to index
        %parallel_loop3A_146 = arith.constant 16 : index
        %parallel_loop3A_147 = tpu.vector_load %parallel_loop3A_144[%parallel_loop3A_145, %parallel_loop3A_146] {strides = array<i32>} : memref<256x128xf32, #tpu.memory_space<vmem>>, vector<1x16xf32>,
        %parallel_loop3A_148 = vector.shape_cast %parallel_loop3A_147 : vector<1x16xf32> to vector<16xf32>
        %parallel_loop3A_149 = arith.constant 8.000000e+00 : f32
        %parallel_loop3A_150 = vector.broadcast %parallel_loop3A_149 : f32 to vector<16xf32>
        %parallel_loop3A_151 = arith.mulf %parallel_loop3A_148, %parallel_loop3A_150 : vector<16xf32>
        %parallel_loop3A_152 = arith.constant 2 : i32
        %parallel_loop3A_153 = arith.divsi %parallel_loop3A_80, %parallel_loop3A_152 : i32
        %parallel_loop3A_154 = arith.constant 0 : i32
        %parallel_loop3A_155 = arith.cmpi sgt, %parallel_loop3A_80, %parallel_loop3A_154 : i32
        %parallel_loop3A_156 = arith.extui %parallel_loop3A_155 : i1 to i32
        %parallel_loop3A_157 = arith.constant 0 : i32
        %parallel_loop3A_158 = arith.cmpi slt, %parallel_loop3A_80, %parallel_loop3A_157 : i32
        %parallel_loop3A_159 = arith.extui %parallel_loop3A_158 : i1 to i32
        %parallel_loop3A_160 = arith.subi %parallel_loop3A_156, %parallel_loop3A_159 : i32
        %parallel_loop3A_161 = arith.constant 0 : i32
        %parallel_loop3A_162 = arith.cmpi sgt, %parallel_loop3A_152, %parallel_loop3A_161 : i32
        %parallel_loop3A_163 = arith.extui %parallel_loop3A_162 : i1 to i32
        %parallel_loop3A_164 = arith.constant 0 : i32
        %parallel_loop3A_165 = arith.cmpi slt, %parallel_loop3A_152, %parallel_loop3A_164 : i32
        %parallel_loop3A_166 = arith.extui %parallel_loop3A_165 : i1 to i32
        %parallel_loop3A_167 = arith.subi %parallel_loop3A_163, %parallel_loop3A_166 : i32
        %parallel_loop3A_168 = arith.cmpi ne, %parallel_loop3A_160, %parallel_loop3A_167 : i32
        %parallel_loop3A_169 = arith.remsi %parallel_loop3A_80, %parallel_loop3A_152 : i32
        %parallel_loop3A_170 = arith.constant 0 : i32
        %parallel_loop3A_171 = arith.cmpi ne, %parallel_loop3A_169, %parallel_loop3A_170 : i32
        %parallel_loop3A_172 = arith.andi %parallel_loop3A_168, %parallel_loop3A_171 : i1
        %parallel_loop3A_173 = arith.constant 1 : i32
        %parallel_loop3A_174 = arith.subi %parallel_loop3A_153, %parallel_loop3A_173 : i32
        %parallel_loop3A_175 = arith.select %parallel_loop3A_172, %parallel_loop3A_174, %parallel_loop3A_153 : i32
        %parallel_loop3A_176 = arith.constant 16 : i32
        %parallel_loop3A_177 = arith.addi %parallel_loop3A_98, %parallel_loop3A_176 : i32
        %parallel_loop3A_178 = arith.index_cast %parallel_loop3A_175 : i32 to index
        %parallel_loop3A_179 = arith.index_cast %parallel_loop3A_177 : i32 to index
        %parallel_loop3A_180 = tpu.vector_load %arg8[%parallel_loop3A_178, %parallel_loop3A_179] {strides = array<i32>} : memref<128x128xf32, #tpu.memory_space<vmem>>, vector<1x16xf32>,
        %parallel_loop3A_181 = vector.shape_cast %parallel_loop3A_180 : vector<1x16xf32> to vector<16xf32>
        %parallel_loop3A_182 = vector.shape_cast %parallel_loop3A_151 : vector<16xf32> to vector<1x16xf32>
        tpu.vector_store %arg8[%parallel_loop3A_178, %parallel_loop3A_179], %parallel_loop3A_182 {strides = array<i32>} : memref<128x128xf32, #tpu.memory_space<vmem>>, vector<1x16xf32>,
        %parallel_loop3A_183 = arith.constant 0 : i32
        %parallel_loop3A_184 = arith.constant 0 : i32
        %parallel_loop3A_185 = tpu.memref_slice %arg7[%parallel_loop3A_73, %parallel_loop3A_183, %parallel_loop3A_184] : memref<2x256x128xf32, #tpu.memory_space<vmem>> -> memref<1x256x128xf32, #tpu.memory_space<vmem>>
        %parallel_loop3A_186 = tpu.memref_squeeze %parallel_loop3A_185 : memref<1x256x128xf32, #tpu.memory_space<vmem>> -> memref<256x128xf32, #tpu.memory_space<vmem>>
        %parallel_loop3A_187 = arith.index_cast %parallel_loop3A_80 : i32 to index
        %parallel_loop3A_188 = arith.constant 32 : index
        %parallel_loop3A_189 = tpu.vector_load %parallel_loop3A_186[%parallel_loop3A_187, %parallel_loop3A_188] {strides = array<i32>} : memref<256x128xf32, #tpu.memory_space<vmem>>, vector<1x16xf32>,
        %parallel_loop3A_190 = vector.shape_cast %parallel_loop3A_189 : vector<1x16xf32> to vector<16xf32>
        %parallel_loop3A_191 = arith.constant 8.000000e+00 : f32
        %parallel_loop3A_192 = vector.broadcast %parallel_loop3A_191 : f32 to vector<16xf32>
        %parallel_loop3A_193 = arith.mulf %parallel_loop3A_190, %parallel_loop3A_192 : vector<16xf32>
        %parallel_loop3A_194 = arith.constant 2 : i32
        %parallel_loop3A_195 = arith.divsi %parallel_loop3A_80, %parallel_loop3A_194 : i32
        %parallel_loop3A_196 = arith.constant 0 : i32
        %parallel_loop3A_197 = arith.cmpi sgt, %parallel_loop3A_80, %parallel_loop3A_196 : i32
        %parallel_loop3A_198 = arith.extui %parallel_loop3A_197 : i1 to i32
        %parallel_loop3A_199 = arith.constant 0 : i32
        %parallel_loop3A_200 = arith.cmpi slt, %parallel_loop3A_80, %parallel_loop3A_199 : i32
        %parallel_loop3A_201 = arith.extui %parallel_loop3A_200 : i1 to i32
        %parallel_loop3A_202 = arith.subi %parallel_loop3A_198, %parallel_loop3A_201 : i32
        %parallel_loop3A_203 = arith.constant 0 : i32
        %parallel_loop3A_204 = arith.cmpi sgt, %parallel_loop3A_194, %parallel_loop3A_203 : i32
        %parallel_loop3A_205 = arith.extui %parallel_loop3A_204 : i1 to i32
        %parallel_loop3A_206 = arith.constant 0 : i32
        %parallel_loop3A_207 = arith.cmpi slt, %parallel_loop3A_194, %parallel_loop3A_206 : i32
        %parallel_loop3A_208 = arith.extui %parallel_loop3A_207 : i1 to i32
        %parallel_loop3A_209 = arith.subi %parallel_loop3A_205, %parallel_loop3A_208 : i32
        %parallel_loop3A_210 = arith.cmpi ne, %parallel_loop3A_202, %parallel_loop3A_209 : i32
        %parallel_loop3A_211 = arith.remsi %parallel_loop3A_80, %parallel_loop3A_194 : i32
        %parallel_loop3A_212 = arith.constant 0 : i32
        %parallel_loop3A_213 = arith.cmpi ne, %parallel_loop3A_211, %parallel_loop3A_212 : i32
        %parallel_loop3A_214 = arith.andi %parallel_loop3A_210, %parallel_loop3A_213 : i1
        %parallel_loop3A_215 = arith.constant 1 : i32
        %parallel_loop3A_216 = arith.subi %parallel_loop3A_195, %parallel_loop3A_215 : i32
        %parallel_loop3A_217 = arith.select %parallel_loop3A_214, %parallel_loop3A_216, %parallel_loop3A_195 : i32
        %parallel_loop3A_218 = arith.constant 32 : i32
        %parallel_loop3A_219 = arith.addi %parallel_loop3A_98, %parallel_loop3A_218 : i32
        %parallel_loop3A_220 = arith.index_cast %parallel_loop3A_217 : i32 to index
        %parallel_loop3A_221 = arith.index_cast %parallel_loop3A_219 : i32 to index
        %parallel_loop3A_222 = tpu.vector_load %arg8[%parallel_loop3A_220, %parallel_loop3A_221] {strides = array<i32>} : memref<128x128xf32, #tpu.memory_space<vmem>>, vector<1x16xf32>,
        %parallel_loop3A_223 = vector.shape_cast %parallel_loop3A_222 : vector<1x16xf32> to vector<16xf32>
        %parallel_loop3A_224 = vector.shape_cast %parallel_loop3A_193 : vector<16xf32> to vector<1x16xf32>
        tpu.vector_store %arg8[%parallel_loop3A_220, %parallel_loop3A_221], %parallel_loop3A_224 {strides = array<i32>} : memref<128x128xf32, #tpu.memory_space<vmem>>, vector<1x16xf32>,
        %parallel_loop3A_225 = arith.constant 0 : i32
        %parallel_loop3A_226 = arith.constant 0 : i32
        %parallel_loop3A_227 = tpu.memref_slice %arg7[%parallel_loop3A_73, %parallel_loop3A_225, %parallel_loop3A_226] : memref<2x256x128xf32, #tpu.memory_space<vmem>> -> memref<1x256x128xf32, #tpu.memory_space<vmem>>
        %parallel_loop3A_228 = tpu.memref_squeeze %parallel_loop3A_227 : memref<1x256x128xf32, #tpu.memory_space<vmem>> -> memref<256x128xf32, #tpu.memory_space<vmem>>
        %parallel_loop3A_229 = arith.index_cast %parallel_loop3A_80 : i32 to index
        %parallel_loop3A_230 = arith.constant 48 : index
        %parallel_loop3A_231 = tpu.vector_load %parallel_loop3A_228[%parallel_loop3A_229, %parallel_loop3A_230] {strides = array<i32>} : memref<256x128xf32, #tpu.memory_space<vmem>>, vector<1x16xf32>,
        %parallel_loop3A_232 = vector.shape_cast %parallel_loop3A_231 : vector<1x16xf32> to vector<16xf32>
        %parallel_loop3A_233 = arith.constant 8.000000e+00 : f32
        %parallel_loop3A_234 = vector.broadcast %parallel_loop3A_233 : f32 to vector<16xf32>
        %parallel_loop3A_235 = arith.mulf %parallel_loop3A_232, %parallel_loop3A_234 : vector<16xf32>
        %parallel_loop3A_236 = arith.constant 2 : i32
        %parallel_loop3A_237 = arith.divsi %parallel_loop3A_80, %parallel_loop3A_236 : i32
        %parallel_loop3A_238 = arith.constant 0 : i32
        %parallel_loop3A_239 = arith.cmpi sgt, %parallel_loop3A_80, %parallel_loop3A_238 : i32
        %parallel_loop3A_240 = arith.extui %parallel_loop3A_239 : i1 to i32
        %parallel_loop3A_241 = arith.constant 0 : i32
        %parallel_loop3A_242 = arith.cmpi slt, %parallel_loop3A_80, %parallel_loop3A_241 : i32
        %parallel_loop3A_243 = arith.extui %parallel_loop3A_242 : i1 to i32
        %parallel_loop3A_244 = arith.subi %parallel_loop3A_240, %parallel_loop3A_243 : i32
        %parallel_loop3A_245 = arith.constant 0 : i32
        %parallel_loop3A_246 = arith.cmpi sgt, %parallel_loop3A_236, %parallel_loop3A_245 : i32
        %parallel_loop3A_247 = arith.extui %parallel_loop3A_246 : i1 to i32
        %parallel_loop3A_248 = arith.constant 0 : i32
        %parallel_loop3A_249 = arith.cmpi slt, %parallel_loop3A_236, %parallel_loop3A_248 : i32
        %parallel_loop3A_250 = arith.extui %parallel_loop3A_249 : i1 to i32
        %parallel_loop3A_251 = arith.subi %parallel_loop3A_247, %parallel_loop3A_250 : i32
        %parallel_loop3A_252 = arith.cmpi ne, %parallel_loop3A_244, %parallel_loop3A_251 : i32
        %parallel_loop3A_253 = arith.remsi %parallel_loop3A_80, %parallel_loop3A_236 : i32
        %parallel_loop3A_254 = arith.constant 0 : i32
        %parallel_loop3A_255 = arith.cmpi ne, %parallel_loop3A_253, %parallel_loop3A_254 : i32
        %parallel_loop3A_256 = arith.andi %parallel_loop3A_252, %parallel_loop3A_255 : i1
        %parallel_loop3A_257 = arith.constant 1 : i32
        %parallel_loop3A_258 = arith.subi %parallel_loop3A_237, %parallel_loop3A_257 : i32
        %parallel_loop3A_259 = arith.select %parallel_loop3A_256, %parallel_loop3A_258, %parallel_loop3A_237 : i32
        %parallel_loop3A_260 = arith.constant 48 : i32
        %parallel_loop3A_261 = arith.addi %parallel_loop3A_98, %parallel_loop3A_260 : i32
        %parallel_loop3A_262 = arith.index_cast %parallel_loop3A_259 : i32 to index
        %parallel_loop3A_263 = arith.index_cast %parallel_loop3A_261 : i32 to index
        %parallel_loop3A_264 = tpu.vector_load %arg8[%parallel_loop3A_262, %parallel_loop3A_263] {strides = array<i32>} : memref<128x128xf32, #tpu.memory_space<vmem>>, vector<1x16xf32>,
        %parallel_loop3A_265 = vector.shape_cast %parallel_loop3A_264 : vector<1x16xf32> to vector<16xf32>
        %parallel_loop3A_266 = vector.shape_cast %parallel_loop3A_235 : vector<16xf32> to vector<1x16xf32>
        tpu.vector_store %arg8[%parallel_loop3A_262, %parallel_loop3A_263], %parallel_loop3A_266 {strides = array<i32>} : memref<128x128xf32, #tpu.memory_space<vmem>>, vector<1x16xf32>,
      } {sc.loop_unroll_factor = 4 : i64, sc.parallel_access}
      %dma_start3A_74 = arith.constant 0 : i32
      %dma_start3A_75 = arith.constant 0 : i32
      %dma_start3A_76 = tpu.memref_slice %arg5[%dma_start3A_74, %dma_start3A_75] : memref<409600x128xf32, #tpu.memory_space<hbm>> -> memref<409600x128xf32, #tpu.memory_space<hbm>>
      tpu.enqueue_indirect_dma source(%arg8 : memref<128x128xf32, #tpu.memory_space<vmem>>) target(%dma_start3A_76 : memref<409600x128xf32, #tpu.memory_space<hbm>>) offsets(%arg9 : memref<128xi32, #tpu.memory_space<vmem>>) semaphore(%arg12 : memref<!tpu.dma_semaphore, #tpu.memory_space<semaphore_mem>>)
      %dma_wait3A_77 = arith.constant 0 : i32
      %dma_wait3A_78 = arith.constant 0 : i32
      %dma_wait3A_79 = tpu.memref_slice %arg5[%dma_wait3A_77, %dma_wait3A_78] : memref<409600x128xf32, #tpu.memory_space<hbm>> -> memref<409600x128xf32, #tpu.memory_space<hbm>>
      tpu.wait_indirect_dma semaphore(%arg12 : memref<!tpu.dma_semaphore, #tpu.memory_space<semaphore_mem>>) src(%arg8 : memref<128x128xf32, #tpu.memory_space<vmem>>) dst(%dma_wait3A_79 : memref<409600x128xf32, #tpu.memory_space<hbm>>)
    }
    %scan3A_19 = arith.constant 50 : i32
    return
  }
}

module attributes {stable_mosaic.version = 14 : i64} {
  func.func @body(%arg0: i32, %arg1: memref<64x1000000xf32, #tpu.memory_space<any>>, %arg2: memref<64x64xf32, #tpu.memory_space<vmem>>, %arg3: memref<1001472x128xf32, #tpu.memory_space<any>>, %arg4: memref<2x64x2048xf32, #tpu.memory_space<vmem>>, %arg5: memref<2x2048x128xf32, #tpu.memory_space<vmem>>, %arg6: memref<!tpu.dma_semaphore, #tpu.memory_space<semaphore_mem>>, %arg7: memref<!tpu.dma_semaphore, #tpu.memory_space<semaphore_mem>>, %arg8: memref<!tpu.dma_semaphore, #tpu.memory_space<semaphore_mem>>, %arg9: memref<!tpu.dma_semaphore, #tpu.memory_space<semaphore_mem>>) attributes {dimension_semantics = [#tpu.dimension_semantics<arbitrary>], iteration_bounds = array<i64: 1>, scalar_prefetch = 0 : i64, scratch_operands = 6 : i64, tpu.core_type = #tpu.core_type<tc>, window_params = [{}, {pipeline_mode = #tpu.pipeline_mode<synchronous>, transform_indices = @transform_1, window_bounds = array<i64: 64, 64>}, {}]} {
    %iota3A = tpu.iota {dimensions = array<i32: 0>} : vector<64x64xi32>
    %iota3A_0 = tpu.iota {dimensions = array<i32: 1>} : vector<64x64xi32>
    %add3A = arith.constant 0 : i32
    %add3A_1 = vector.broadcast %add3A : i32 to vector<64x64xi32>
    %add3A_2 = arith.addi %iota3A, %add3A_1 : vector<64x64xi32>
    %eq3A = arith.cmpi eq, %add3A_2, %iota3A_0 : vector<64x64xi32>
    %convert_element_type3A = arith.extui %eq3A : vector<64x64xi1> to vector<64x64xi32>
    %convert_element_type3A_3 = arith.sitofp %convert_element_type3A : vector<64x64xi32> to vector<64x64xf32>
    %multiple_of3A = arith.constant 0 : i32
    %multiple_of3A_4 = tpu.assume_multiple %multiple_of3A, 2048 : i32
    %dma_start3A = arith.constant 0 : i32
    %dma_start3A_5 = arith.constant 0 : i32
    %dma_start3A_6 = arith.constant 0 : i32
    %dma_start3A_7 = tpu.memref_slice %arg4[%dma_start3A, %dma_start3A_5, %dma_start3A_6] : memref<2x64x2048xf32, #tpu.memory_space<vmem>> -> memref<1x64x2048xf32, #tpu.memory_space<vmem>>
    %dma_start3A_8 = tpu.memref_squeeze %dma_start3A_7 : memref<1x64x2048xf32, #tpu.memory_space<vmem>> -> memref<64x2048xf32, #tpu.memory_space<vmem>>
    %dma_start3A_9 = arith.constant 0 : i32
    %dma_start3A_10 = tpu.memref_slice %arg1[%dma_start3A_9, %multiple_of3A_4] : memref<64x1000000xf32, #tpu.memory_space<any>> -> memref<64x2048xf32, #tpu.memory_space<any>>
    tpu.enqueue_dma source(%dma_start3A_10 : memref<64x2048xf32, #tpu.memory_space<any>>) target(%dma_start3A_8 : memref<64x2048xf32, #tpu.memory_space<vmem>>) target_semaphore(%arg6 : memref<!tpu.dma_semaphore, #tpu.memory_space<semaphore_mem>>)
    %scan3A = arith.constant 0 : i32
    %scan3A_11 = arith.constant 244 : i32
    %scan3A_12 = arith.addi %scan3A, %scan3A_11 : i32
    %scan3A_13 = arith.constant 1 : i32
    scf.for %scan3A_91 = %scan3A to %scan3A_12 step %scan3A_13  : i32 {
      %mul3A = arith.constant 2 : i32
      %mul3A_92 = arith.muli %mul3A, %scan3A_91 : i32
      %add3A_93 = arith.constant 0 : i32
      %add3A_94 = arith.addi %mul3A_92, %add3A_93 : i32
      %add3A_95 = arith.constant 1 : i32
      %add3A_96 = arith.addi %add3A_94, %add3A_95 : i32
      %lt3A = arith.constant 488 : i32
      %lt3A_97 = arith.cmpi slt, %add3A_96, %lt3A : i32
      %convert_element_type3A_98 = arith.extui %lt3A_97 : i1 to i32
      %cond3A = arith.constant 0 : i32
      %cond3A_99 = arith.cmpi ne, %convert_element_type3A_98, %cond3A : i32
      scf.if %cond3A_99 {
        %add3A_188 = arith.constant 1 : i32
        %add3A_189 = arith.addi %add3A_94, %add3A_188 : i32
        %mul3A_190 = arith.constant 2048 : i32
        %mul3A_191 = arith.muli %add3A_189, %mul3A_190 : i32
        %multiple_of3A_192 = tpu.assume_multiple %mul3A_191, 2048 : i32
        %dma_start3A_193 = arith.constant 1 : i32
        %dma_start3A_194 = arith.constant 0 : i32
        %dma_start3A_195 = arith.constant 0 : i32
        %dma_start3A_196 = tpu.memref_slice %arg4[%dma_start3A_193, %dma_start3A_194, %dma_start3A_195] : memref<2x64x2048xf32, #tpu.memory_space<vmem>> -> memref<1x64x2048xf32, #tpu.memory_space<vmem>>
        %dma_start3A_197 = tpu.memref_squeeze %dma_start3A_196 : memref<1x64x2048xf32, #tpu.memory_space<vmem>> -> memref<64x2048xf32, #tpu.memory_space<vmem>>
        %dma_start3A_198 = arith.constant 0 : i32
        %dma_start3A_199 = tpu.memref_slice %arg1[%dma_start3A_198, %multiple_of3A_192] : memref<64x1000000xf32, #tpu.memory_space<any>> -> memref<64x2048xf32, #tpu.memory_space<any>>
        tpu.enqueue_dma source(%dma_start3A_199 : memref<64x2048xf32, #tpu.memory_space<any>>) target(%dma_start3A_197 : memref<64x2048xf32, #tpu.memory_space<vmem>>) target_semaphore(%arg7 : memref<!tpu.dma_semaphore, #tpu.memory_space<semaphore_mem>>)
      } else {
      }
      %mul3A_100 = arith.constant 2048 : i32
      %mul3A_101 = arith.muli %add3A_94, %mul3A_100 : i32
      %multiple_of3A_102 = tpu.assume_multiple %mul3A_101, 2048 : i32
      %dma_wait3A_103 = arith.constant 0 : i32
      %dma_wait3A_104 = arith.constant 0 : i32
      %dma_wait3A_105 = arith.constant 0 : i32
      %dma_wait3A_106 = tpu.memref_slice %arg4[%dma_wait3A_103, %dma_wait3A_104, %dma_wait3A_105] : memref<2x64x2048xf32, #tpu.memory_space<vmem>> -> memref<1x64x2048xf32, #tpu.memory_space<vmem>>
      %dma_wait3A_107 = tpu.memref_squeeze %dma_wait3A_106 : memref<1x64x2048xf32, #tpu.memory_space<vmem>> -> memref<64x2048xf32, #tpu.memory_space<vmem>>
      %dma_wait3A_108 = arith.constant 0 : i32
      %dma_wait3A_109 = tpu.memref_slice %arg1[%dma_wait3A_108, %multiple_of3A_102] : memref<64x1000000xf32, #tpu.memory_space<any>> -> memref<64x2048xf32, #tpu.memory_space<any>>
      tpu.wait_dma2 semaphore(%arg6 : memref<!tpu.dma_semaphore, #tpu.memory_space<semaphore_mem>>) src(%dma_wait3A_109 : memref<64x2048xf32, #tpu.memory_space<any>>) dst(%dma_wait3A_107 : memref<64x2048xf32, #tpu.memory_space<vmem>>)
      %ge3A = arith.constant 2 : i32
      %ge3A_110 = arith.cmpi sge, %add3A_94, %ge3A : i32
      %convert_element_type3A_111 = arith.extui %ge3A_110 : i1 to i32
      %cond3A_112 = arith.constant 0 : i32
      %cond3A_113 = arith.cmpi ne, %convert_element_type3A_111, %cond3A_112 : i32
      scf.if %cond3A_113 {
        %sub3A = arith.constant 2 : i32
        %sub3A_188 = arith.subi %add3A_94, %sub3A : i32
        %mul3A_189 = arith.constant 2048 : i32
        %mul3A_190 = arith.muli %sub3A_188, %mul3A_189 : i32
        %multiple_of3A_191 = tpu.assume_multiple %mul3A_190, 2048 : i32
        %dma_wait3A_192 = arith.constant 0 : i32
        %dma_wait3A_193 = arith.constant 0 : i32
        %dma_wait3A_194 = tpu.memref_slice %arg3[%multiple_of3A_191, %dma_wait3A_193] : memref<1001472x128xf32, #tpu.memory_space<any>> -> memref<2048x128xf32, #tpu.memory_space<any>>
        %dma_wait3A_195 = arith.constant 0 : i32
        %dma_wait3A_196 = arith.constant 0 : i32
        %dma_wait3A_197 = tpu.memref_slice %arg5[%dma_wait3A_192, %dma_wait3A_195, %dma_wait3A_196] : memref<2x2048x128xf32, #tpu.memory_space<vmem>> -> memref<1x2048x128xf32, #tpu.memory_space<vmem>>
        %dma_wait3A_198 = tpu.memref_squeeze %dma_wait3A_197 : memref<1x2048x128xf32, #tpu.memory_space<vmem>> -> memref<2048x128xf32, #tpu.memory_space<vmem>>
        tpu.wait_dma2 semaphore(%arg8 : memref<!tpu.dma_semaphore, #tpu.memory_space<semaphore_mem>>) src(%dma_wait3A_198 : memref<2048x128xf32, #tpu.memory_space<vmem>>) dst(%dma_wait3A_194 : memref<2048x128xf32, #tpu.memory_space<any>>)
      } else {
      }
      %get3A_114 = arith.constant 0 : index
      %get3A_115 = arith.constant 0 : index
      %get3A_116 = arith.constant 0 : index
      %get3A_117 = vector.load %arg4[%get3A_114, %get3A_115, %get3A_116] : memref<2x64x2048xf32, #tpu.memory_space<vmem>>, vector<1x64x2048xf32>
      %get3A_118 = vector.shape_cast %get3A_117 : vector<1x64x2048xf32> to vector<64x2048xf32>
      %dot_general3A_119 = arith.constant dense<0.000000e+00> : vector<2048x64xf32>
      %dot_general3A_120 = tpu.matmul %get3A_118, %convert_element_type3A_3, %dot_general3A_119 {dimension_numbers = #tpu.dot_dimension_numbers<[0], [0], [1], [1], [0, 1, 1, 1], [], []>, transpose_lhs_hint = false} : vector<64x2048xf32>, vector<64x64xf32>, vector<2048x64xf32> -> vector<2048x64xf32>
      %concatenate3A_121 = tpu.concatenate %dot_general3A_120, %dot_general3A_120 in 1 : vector<2048x64xf32>, vector<2048x64xf32> -> vector<2048x128xf32>
      %swap3A_122 = arith.constant 0 : index
      %swap3A_123 = arith.constant 0 : index
      %swap3A_124 = arith.constant 0 : index
      %swap3A_125 = vector.load %arg5[%swap3A_122, %swap3A_123, %swap3A_124] : memref<2x2048x128xf32, #tpu.memory_space<vmem>>, vector<1x2048x128xf32>
      %swap3A_126 = vector.shape_cast %swap3A_125 : vector<1x2048x128xf32> to vector<2048x128xf32>
      %swap3A_127 = vector.shape_cast %concatenate3A_121 : vector<2048x128xf32> to vector<1x2048x128xf32>
      tpu.vector_store %arg5[%swap3A_122, %swap3A_123, %swap3A_124], %swap3A_127 {strides = array<i32>} : memref<2x2048x128xf32, #tpu.memory_space<vmem>>, vector<1x2048x128xf32>,
      %mul3A_128 = arith.constant 2048 : i32
      %mul3A_129 = arith.muli %add3A_94, %mul3A_128 : i32
      %multiple_of3A_130 = tpu.assume_multiple %mul3A_129, 2048 : i32
      %dma_start3A_131 = arith.constant 0 : i32
      %dma_start3A_132 = arith.constant 0 : i32
      %dma_start3A_133 = tpu.memref_slice %arg3[%multiple_of3A_130, %dma_start3A_132] : memref<1001472x128xf32, #tpu.memory_space<any>> -> memref<2048x128xf32, #tpu.memory_space<any>>
      %dma_start3A_134 = arith.constant 0 : i32
      %dma_start3A_135 = arith.constant 0 : i32
      %dma_start3A_136 = tpu.memref_slice %arg5[%dma_start3A_131, %dma_start3A_134, %dma_start3A_135] : memref<2x2048x128xf32, #tpu.memory_space<vmem>> -> memref<1x2048x128xf32, #tpu.memory_space<vmem>>
      %dma_start3A_137 = tpu.memref_squeeze %dma_start3A_136 : memref<1x2048x128xf32, #tpu.memory_space<vmem>> -> memref<2048x128xf32, #tpu.memory_space<vmem>>
      tpu.enqueue_dma source(%dma_start3A_137 : memref<2048x128xf32, #tpu.memory_space<vmem>>) target(%dma_start3A_133 : memref<2048x128xf32, #tpu.memory_space<any>>) target_semaphore(%arg8 : memref<!tpu.dma_semaphore, #tpu.memory_space<semaphore_mem>>)
      %mul3A_138 = arith.constant 2 : i32
      %mul3A_139 = arith.muli %mul3A_138, %scan3A_91 : i32
      %add3A_140 = arith.constant 1 : i32
      %add3A_141 = arith.addi %mul3A_139, %add3A_140 : i32
      %add3A_142 = arith.constant 1 : i32
      %add3A_143 = arith.addi %add3A_141, %add3A_142 : i32
      %lt3A_144 = arith.constant 488 : i32
      %lt3A_145 = arith.cmpi slt, %add3A_143, %lt3A_144 : i32
      %convert_element_type3A_146 = arith.extui %lt3A_145 : i1 to i32
      %cond3A_147 = arith.constant 0 : i32
      %cond3A_148 = arith.cmpi ne, %convert_element_type3A_146, %cond3A_147 : i32
      scf.if %cond3A_148 {
        %add3A_188 = arith.constant 1 : i32
        %add3A_189 = arith.addi %add3A_141, %add3A_188 : i32
        %mul3A_190 = arith.constant 2048 : i32
        %mul3A_191 = arith.muli %add3A_189, %mul3A_190 : i32
        %multiple_of3A_192 = tpu.assume_multiple %mul3A_191, 2048 : i32
        %dma_start3A_193 = arith.constant 0 : i32
        %dma_start3A_194 = arith.constant 0 : i32
        %dma_start3A_195 = arith.constant 0 : i32
        %dma_start3A_196 = tpu.memref_slice %arg4[%dma_start3A_193, %dma_start3A_194, %dma_start3A_195] : memref<2x64x2048xf32, #tpu.memory_space<vmem>> -> memref<1x64x2048xf32, #tpu.memory_space<vmem>>
        %dma_start3A_197 = tpu.memref_squeeze %dma_start3A_196 : memref<1x64x2048xf32, #tpu.memory_space<vmem>> -> memref<64x2048xf32, #tpu.memory_space<vmem>>
        %dma_start3A_198 = arith.constant 0 : i32
        %dma_start3A_199 = tpu.memref_slice %arg1[%dma_start3A_198, %multiple_of3A_192] : memref<64x1000000xf32, #tpu.memory_space<any>> -> memref<64x2048xf32, #tpu.memory_space<any>>
        tpu.enqueue_dma source(%dma_start3A_199 : memref<64x2048xf32, #tpu.memory_space<any>>) target(%dma_start3A_197 : memref<64x2048xf32, #tpu.memory_space<vmem>>) target_semaphore(%arg6 : memref<!tpu.dma_semaphore, #tpu.memory_space<semaphore_mem>>)
      } else {
      }
      %mul3A_149 = arith.constant 2048 : i32
      %mul3A_150 = arith.muli %add3A_141, %mul3A_149 : i32
      %multiple_of3A_151 = tpu.assume_multiple %mul3A_150, 2048 : i32
      %dma_wait3A_152 = arith.constant 1 : i32
      %dma_wait3A_153 = arith.constant 0 : i32
      %dma_wait3A_154 = arith.constant 0 : i32
      %dma_wait3A_155 = tpu.memref_slice %arg4[%dma_wait3A_152, %dma_wait3A_153, %dma_wait3A_154] : memref<2x64x2048xf32, #tpu.memory_space<vmem>> -> memref<1x64x2048xf32, #tpu.memory_space<vmem>>
      %dma_wait3A_156 = tpu.memref_squeeze %dma_wait3A_155 : memref<1x64x2048xf32, #tpu.memory_space<vmem>> -> memref<64x2048xf32, #tpu.memory_space<vmem>>
      %dma_wait3A_157 = arith.constant 0 : i32
      %dma_wait3A_158 = tpu.memref_slice %arg1[%dma_wait3A_157, %multiple_of3A_151] : memref<64x1000000xf32, #tpu.memory_space<any>> -> memref<64x2048xf32, #tpu.memory_space<any>>
      tpu.wait_dma2 semaphore(%arg7 : memref<!tpu.dma_semaphore, #tpu.memory_space<semaphore_mem>>) src(%dma_wait3A_158 : memref<64x2048xf32, #tpu.memory_space<any>>) dst(%dma_wait3A_156 : memref<64x2048xf32, #tpu.memory_space<vmem>>)
      %ge3A_159 = arith.constant 2 : i32
      %ge3A_160 = arith.cmpi sge, %add3A_141, %ge3A_159 : i32
      %convert_element_type3A_161 = arith.extui %ge3A_160 : i1 to i32
      %cond3A_162 = arith.constant 0 : i32
      %cond3A_163 = arith.cmpi ne, %convert_element_type3A_161, %cond3A_162 : i32
      scf.if %cond3A_163 {
        %sub3A = arith.constant 2 : i32
        %sub3A_188 = arith.subi %add3A_141, %sub3A : i32
        %mul3A_189 = arith.constant 2048 : i32
        %mul3A_190 = arith.muli %sub3A_188, %mul3A_189 : i32
        %multiple_of3A_191 = tpu.assume_multiple %mul3A_190, 2048 : i32
        %dma_wait3A_192 = arith.constant 1 : i32
        %dma_wait3A_193 = arith.constant 0 : i32
        %dma_wait3A_194 = tpu.memref_slice %arg3[%multiple_of3A_191, %dma_wait3A_193] : memref<1001472x128xf32, #tpu.memory_space<any>> -> memref<2048x128xf32, #tpu.memory_space<any>>
        %dma_wait3A_195 = arith.constant 0 : i32
        %dma_wait3A_196 = arith.constant 0 : i32
        %dma_wait3A_197 = tpu.memref_slice %arg5[%dma_wait3A_192, %dma_wait3A_195, %dma_wait3A_196] : memref<2x2048x128xf32, #tpu.memory_space<vmem>> -> memref<1x2048x128xf32, #tpu.memory_space<vmem>>
        %dma_wait3A_198 = tpu.memref_squeeze %dma_wait3A_197 : memref<1x2048x128xf32, #tpu.memory_space<vmem>> -> memref<2048x128xf32, #tpu.memory_space<vmem>>
        tpu.wait_dma2 semaphore(%arg9 : memref<!tpu.dma_semaphore, #tpu.memory_space<semaphore_mem>>) src(%dma_wait3A_198 : memref<2048x128xf32, #tpu.memory_space<vmem>>) dst(%dma_wait3A_194 : memref<2048x128xf32, #tpu.memory_space<any>>)
      } else {
      }
      %get3A_164 = arith.constant 1 : index
      %get3A_165 = arith.constant 0 : index
      %get3A_166 = arith.constant 0 : index
      %get3A_167 = vector.load %arg4[%get3A_164, %get3A_165, %get3A_166] : memref<2x64x2048xf32, #tpu.memory_space<vmem>>, vector<1x64x2048xf32>
      %get3A_168 = vector.shape_cast %get3A_167 : vector<1x64x2048xf32> to vector<64x2048xf32>
      %dot_general3A_169 = arith.constant dense<0.000000e+00> : vector<2048x64xf32>
      %dot_general3A_170 = tpu.matmul %get3A_168, %convert_element_type3A_3, %dot_general3A_169 {dimension_numbers = #tpu.dot_dimension_numbers<[0], [0], [1], [1], [0, 1, 1, 1], [], []>, transpose_lhs_hint = false} : vector<64x2048xf32>, vector<64x64xf32>, vector<2048x64xf32> -> vector<2048x64xf32>
      %concatenate3A_171 = tpu.concatenate %dot_general3A_170, %dot_general3A_170 in 1 : vector<2048x64xf32>, vector<2048x64xf32> -> vector<2048x128xf32>
      %swap3A_172 = arith.constant 1 : index
      %swap3A_173 = arith.constant 0 : index
      %swap3A_174 = arith.constant 0 : index
      %swap3A_175 = vector.load %arg5[%swap3A_172, %swap3A_173, %swap3A_174] : memref<2x2048x128xf32, #tpu.memory_space<vmem>>, vector<1x2048x128xf32>
      %swap3A_176 = vector.shape_cast %swap3A_175 : vector<1x2048x128xf32> to vector<2048x128xf32>
      %swap3A_177 = vector.shape_cast %concatenate3A_171 : vector<2048x128xf32> to vector<1x2048x128xf32>
      tpu.vector_store %arg5[%swap3A_172, %swap3A_173, %swap3A_174], %swap3A_177 {strides = array<i32>} : memref<2x2048x128xf32, #tpu.memory_space<vmem>>, vector<1x2048x128xf32>,
      %mul3A_178 = arith.constant 2048 : i32
      %mul3A_179 = arith.muli %add3A_141, %mul3A_178 : i32
      %multiple_of3A_180 = tpu.assume_multiple %mul3A_179, 2048 : i32
      %dma_start3A_181 = arith.constant 1 : i32
      %dma_start3A_182 = arith.constant 0 : i32
      %dma_start3A_183 = tpu.memref_slice %arg3[%multiple_of3A_180, %dma_start3A_182] : memref<1001472x128xf32, #tpu.memory_space<any>> -> memref<2048x128xf32, #tpu.memory_space<any>>
      %dma_start3A_184 = arith.constant 0 : i32
      %dma_start3A_185 = arith.constant 0 : i32
      %dma_start3A_186 = tpu.memref_slice %arg5[%dma_start3A_181, %dma_start3A_184, %dma_start3A_185] : memref<2x2048x128xf32, #tpu.memory_space<vmem>> -> memref<1x2048x128xf32, #tpu.memory_space<vmem>>
      %dma_start3A_187 = tpu.memref_squeeze %dma_start3A_186 : memref<1x2048x128xf32, #tpu.memory_space<vmem>> -> memref<2048x128xf32, #tpu.memory_space<vmem>>
      tpu.enqueue_dma source(%dma_start3A_187 : memref<2048x128xf32, #tpu.memory_space<vmem>>) target(%dma_start3A_183 : memref<2048x128xf32, #tpu.memory_space<any>>) target_semaphore(%arg9 : memref<!tpu.dma_semaphore, #tpu.memory_space<semaphore_mem>>)
    }
    %scan3A_14 = arith.constant 244 : i32
    %dma_start3A_15 = arith.constant 0 : i32
    %dma_start3A_16 = arith.constant 0 : i32
    %dma_start3A_17 = arith.constant 0 : i32
    %dma_start3A_18 = tpu.memref_slice %arg4[%dma_start3A_15, %dma_start3A_16, %dma_start3A_17] : memref<2x64x2048xf32, #tpu.memory_space<vmem>> -> memref<1x64x2048xf32, #tpu.memory_space<vmem>>
    %dma_start3A_19 = tpu.memref_squeeze %dma_start3A_18 : memref<1x64x2048xf32, #tpu.memory_space<vmem>> -> memref<64x2048xf32, #tpu.memory_space<vmem>>
    %dma_start3A_20 = arith.constant 0 : i32
    %dma_start3A_21 = arith.constant 0 : i32
    %dma_start3A_22 = tpu.memref_slice %dma_start3A_19[%dma_start3A_20, %dma_start3A_21] : memref<64x2048xf32, #tpu.memory_space<vmem>> -> memref<64x512xf32, #tpu.memory_space<vmem>>
    %dma_start3A_23 = arith.constant 0 : i32
    %dma_start3A_24 = arith.constant 999424 : i32
    %dma_start3A_25 = tpu.memref_slice %arg1[%dma_start3A_23, %dma_start3A_24] : memref<64x1000000xf32, #tpu.memory_space<any>> -> memref<64x512xf32, #tpu.memory_space<any>>
    tpu.enqueue_dma source(%dma_start3A_25 : memref<64x512xf32, #tpu.memory_space<any>>) target(%dma_start3A_22 : memref<64x512xf32, #tpu.memory_space<vmem>>) target_semaphore(%arg6 : memref<!tpu.dma_semaphore, #tpu.memory_space<semaphore_mem>>)
    %dma_wait3A = arith.constant 0 : i32
    %dma_wait3A_26 = arith.constant 0 : i32
    %dma_wait3A_27 = arith.constant 0 : i32
    %dma_wait3A_28 = tpu.memref_slice %arg4[%dma_wait3A, %dma_wait3A_26, %dma_wait3A_27] : memref<2x64x2048xf32, #tpu.memory_space<vmem>> -> memref<1x64x2048xf32, #tpu.memory_space<vmem>>
    %dma_wait3A_29 = tpu.memref_squeeze %dma_wait3A_28 : memref<1x64x2048xf32, #tpu.memory_space<vmem>> -> memref<64x2048xf32, #tpu.memory_space<vmem>>
    %dma_wait3A_30 = arith.constant 0 : i32
    %dma_wait3A_31 = arith.constant 0 : i32
    %dma_wait3A_32 = tpu.memref_slice %dma_wait3A_29[%dma_wait3A_30, %dma_wait3A_31] : memref<64x2048xf32, #tpu.memory_space<vmem>> -> memref<64x512xf32, #tpu.memory_space<vmem>>
    %dma_wait3A_33 = arith.constant 0 : i32
    %dma_wait3A_34 = arith.constant 999424 : i32
    %dma_wait3A_35 = tpu.memref_slice %arg1[%dma_wait3A_33, %dma_wait3A_34] : memref<64x1000000xf32, #tpu.memory_space<any>> -> memref<64x512xf32, #tpu.memory_space<any>>
    tpu.wait_dma2 semaphore(%arg6 : memref<!tpu.dma_semaphore, #tpu.memory_space<semaphore_mem>>) src(%dma_wait3A_35 : memref<64x512xf32, #tpu.memory_space<any>>) dst(%dma_wait3A_32 : memref<64x512xf32, #tpu.memory_space<vmem>>)
    %get3A = arith.constant 0 : index
    %get3A_36 = arith.constant 0 : index
    %get3A_37 = vector.load %arg2[%get3A, %get3A_36] : memref<64x64xf32, #tpu.memory_space<vmem>>, vector<64x64xf32>
    %swap3A = arith.constant 0 : index
    %swap3A_38 = arith.constant 0 : index
    %swap3A_39 = arith.constant 512 : index
    %swap3A_40 = vector.load %arg4[%swap3A, %swap3A_38, %swap3A_39] : memref<2x64x2048xf32, #tpu.memory_space<vmem>>, vector<1x64x64xf32>
    %swap3A_41 = vector.shape_cast %swap3A_40 : vector<1x64x64xf32> to vector<64x64xf32>
    %swap3A_42 = vector.shape_cast %get3A_37 : vector<64x64xf32> to vector<1x64x64xf32>
    tpu.vector_store %arg4[%swap3A, %swap3A_38, %swap3A_39], %swap3A_42 {strides = array<i32>} : memref<2x64x2048xf32, #tpu.memory_space<vmem>>, vector<1x64x64xf32>,
    %multiple_of3A_43 = arith.constant 995328 : i32
    %multiple_of3A_44 = tpu.assume_multiple %multiple_of3A_43, 2048 : i32
    %dma_wait3A_45 = arith.constant 0 : i32
    %dma_wait3A_46 = arith.constant 0 : i32
    %dma_wait3A_47 = tpu.memref_slice %arg3[%multiple_of3A_44, %dma_wait3A_46] : memref<1001472x128xf32, #tpu.memory_space<any>> -> memref<2048x128xf32, #tpu.memory_space<any>>
    %dma_wait3A_48 = arith.constant 0 : i32
    %dma_wait3A_49 = arith.constant 0 : i32
    %dma_wait3A_50 = tpu.memref_slice %arg5[%dma_wait3A_45, %dma_wait3A_48, %dma_wait3A_49] : memref<2x2048x128xf32, #tpu.memory_space<vmem>> -> memref<1x2048x128xf32, #tpu.memory_space<vmem>>
    %dma_wait3A_51 = tpu.memref_squeeze %dma_wait3A_50 : memref<1x2048x128xf32, #tpu.memory_space<vmem>> -> memref<2048x128xf32, #tpu.memory_space<vmem>>
    tpu.wait_dma2 semaphore(%arg8 : memref<!tpu.dma_semaphore, #tpu.memory_space<semaphore_mem>>) src(%dma_wait3A_51 : memref<2048x128xf32, #tpu.memory_space<vmem>>) dst(%dma_wait3A_47 : memref<2048x128xf32, #tpu.memory_space<any>>)
    %get3A_52 = arith.constant 0 : index
    %get3A_53 = arith.constant 0 : index
    %get3A_54 = arith.constant 0 : index
    %get3A_55 = vector.load %arg4[%get3A_52, %get3A_53, %get3A_54] : memref<2x64x2048xf32, #tpu.memory_space<vmem>>, vector<1x64x2048xf32>
    %get3A_56 = vector.shape_cast %get3A_55 : vector<1x64x2048xf32> to vector<64x2048xf32>
    %dot_general3A = arith.constant dense<0.000000e+00> : vector<2048x64xf32>
    %dot_general3A_57 = tpu.matmul %get3A_56, %convert_element_type3A_3, %dot_general3A {dimension_numbers = #tpu.dot_dimension_numbers<[0], [0], [1], [1], [0, 1, 1, 1], [], []>, transpose_lhs_hint = false} : vector<64x2048xf32>, vector<64x64xf32>, vector<2048x64xf32> -> vector<2048x64xf32>
    %concatenate3A = tpu.concatenate %dot_general3A_57, %dot_general3A_57 in 1 : vector<2048x64xf32>, vector<2048x64xf32> -> vector<2048x128xf32>
    %swap3A_58 = arith.constant 0 : index
    %swap3A_59 = arith.constant 0 : index
    %swap3A_60 = arith.constant 0 : index
    %swap3A_61 = vector.load %arg5[%swap3A_58, %swap3A_59, %swap3A_60] : memref<2x2048x128xf32, #tpu.memory_space<vmem>>, vector<1x2048x128xf32>
    %swap3A_62 = vector.shape_cast %swap3A_61 : vector<1x2048x128xf32> to vector<2048x128xf32>
    %swap3A_63 = vector.shape_cast %concatenate3A : vector<2048x128xf32> to vector<1x2048x128xf32>
    tpu.vector_store %arg5[%swap3A_58, %swap3A_59, %swap3A_60], %swap3A_63 {strides = array<i32>} : memref<2x2048x128xf32, #tpu.memory_space<vmem>>, vector<1x2048x128xf32>,
    %multiple_of3A_64 = arith.constant 999424 : i32
    %multiple_of3A_65 = tpu.assume_multiple %multiple_of3A_64, 2048 : i32
    %dma_start3A_66 = arith.constant 0 : i32
    %dma_start3A_67 = arith.constant 0 : i32
    %dma_start3A_68 = tpu.memref_slice %arg3[%multiple_of3A_65, %dma_start3A_67] : memref<1001472x128xf32, #tpu.memory_space<any>> -> memref<2048x128xf32, #tpu.memory_space<any>>
    %dma_start3A_69 = arith.constant 0 : i32
    %dma_start3A_70 = arith.constant 0 : i32
    %dma_start3A_71 = tpu.memref_slice %arg5[%dma_start3A_66, %dma_start3A_69, %dma_start3A_70] : memref<2x2048x128xf32, #tpu.memory_space<vmem>> -> memref<1x2048x128xf32, #tpu.memory_space<vmem>>
    %dma_start3A_72 = tpu.memref_squeeze %dma_start3A_71 : memref<1x2048x128xf32, #tpu.memory_space<vmem>> -> memref<2048x128xf32, #tpu.memory_space<vmem>>
    tpu.enqueue_dma source(%dma_start3A_72 : memref<2048x128xf32, #tpu.memory_space<vmem>>) target(%dma_start3A_68 : memref<2048x128xf32, #tpu.memory_space<any>>) target_semaphore(%arg8 : memref<!tpu.dma_semaphore, #tpu.memory_space<semaphore_mem>>)
    %multiple_of3A_73 = arith.constant 999424 : i32
    %multiple_of3A_74 = tpu.assume_multiple %multiple_of3A_73, 2048 : i32
    %dma_wait3A_75 = arith.constant 0 : i32
    %dma_wait3A_76 = arith.constant 0 : i32
    %dma_wait3A_77 = tpu.memref_slice %arg3[%multiple_of3A_74, %dma_wait3A_76] : memref<1001472x128xf32, #tpu.memory_space<any>> -> memref<2048x128xf32, #tpu.memory_space<any>>
    %dma_wait3A_78 = arith.constant 0 : i32
    %dma_wait3A_79 = arith.constant 0 : i32
    %dma_wait3A_80 = tpu.memref_slice %arg5[%dma_wait3A_75, %dma_wait3A_78, %dma_wait3A_79] : memref<2x2048x128xf32, #tpu.memory_space<vmem>> -> memref<1x2048x128xf32, #tpu.memory_space<vmem>>
    %dma_wait3A_81 = tpu.memref_squeeze %dma_wait3A_80 : memref<1x2048x128xf32, #tpu.memory_space<vmem>> -> memref<2048x128xf32, #tpu.memory_space<vmem>>
    tpu.wait_dma2 semaphore(%arg8 : memref<!tpu.dma_semaphore, #tpu.memory_space<semaphore_mem>>) src(%dma_wait3A_81 : memref<2048x128xf32, #tpu.memory_space<vmem>>) dst(%dma_wait3A_77 : memref<2048x128xf32, #tpu.memory_space<any>>)
    %multiple_of3A_82 = arith.constant 997376 : i32
    %multiple_of3A_83 = tpu.assume_multiple %multiple_of3A_82, 2048 : i32
    %dma_wait3A_84 = arith.constant 1 : i32
    %dma_wait3A_85 = arith.constant 0 : i32
    %dma_wait3A_86 = tpu.memref_slice %arg3[%multiple_of3A_83, %dma_wait3A_85] : memref<1001472x128xf32, #tpu.memory_space<any>> -> memref<2048x128xf32, #tpu.memory_space<any>>
    %dma_wait3A_87 = arith.constant 0 : i32
    %dma_wait3A_88 = arith.constant 0 : i32
    %dma_wait3A_89 = tpu.memref_slice %arg5[%dma_wait3A_84, %dma_wait3A_87, %dma_wait3A_88] : memref<2x2048x128xf32, #tpu.memory_space<vmem>> -> memref<1x2048x128xf32, #tpu.memory_space<vmem>>
    %dma_wait3A_90 = tpu.memref_squeeze %dma_wait3A_89 : memref<1x2048x128xf32, #tpu.memory_space<vmem>> -> memref<2048x128xf32, #tpu.memory_space<vmem>>
    tpu.wait_dma2 semaphore(%arg9 : memref<!tpu.dma_semaphore, #tpu.memory_space<semaphore_mem>>) src(%dma_wait3A_90 : memref<2048x128xf32, #tpu.memory_space<vmem>>) dst(%dma_wait3A_86 : memref<2048x128xf32, #tpu.memory_space<any>>)
    return
  }
  func.func @transform_1(%arg0: i32) -> (i32, i32) {
    %c0_i32 = arith.constant 0 : i32
    %c0_i32_0 = arith.constant 0 : i32
    %c0_i32_1 = arith.constant 0 : i32
    return %c0_i32, %c0_i32_0 : i32, i32
  }
}

module attributes {stable_mosaic.version = 14 : i64} {
  func.func @body(%arg0: i32, %arg1: memref<3200x128xf32, #tpu.memory_space<vmem>>, %arg2: memref<50x64x128xf32, #tpu.memory_space<vmem>>) attributes {dimension_semantics = [#tpu.dimension_semantics<arbitrary>], iteration_bounds = array<i64: 128>, scalar_prefetch = 0 : i64, scratch_operands = 0 : i64, tpu.core_type = #tpu.core_type<tc>, window_params = [{transform_indices = @transform_0, window_bounds = array<i64: 3200, 128>}, {transform_indices = @transform_1, window_bounds = array<i64: 50, 64, 128>}]} {
    %get3A = arith.constant 0 : index
    %get3A_0 = arith.constant 0 : index
    %get3A_1 = vector.load %arg1[%get3A, %get3A_0] : memref<3200x128xf32, #tpu.memory_space<vmem>>, vector<3200x128xf32>
    %iota3A = tpu.iota {dimensions = array<i32: 0>} : vector<128x128xi32>
    %iota3A_2 = tpu.iota {dimensions = array<i32: 1>} : vector<128x128xi32>
    %add3A = arith.constant 0 : i32
    %add3A_3 = vector.broadcast %add3A : i32 to vector<128x128xi32>
    %add3A_4 = arith.addi %iota3A, %add3A_3 : vector<128x128xi32>
    %eq3A = arith.cmpi eq, %add3A_4, %iota3A_2 : vector<128x128xi32>
    %convert_element_type3A = arith.extui %eq3A : vector<128x128xi1> to vector<128x128xi32>
    %convert_element_type3A_5 = arith.sitofp %convert_element_type3A : vector<128x128xi32> to vector<128x128xf32>
    %slice3A = vector.extract_strided_slice %get3A_1 {offsets = [0, 0], sizes = [128, 128], strides = [1, 1]} : vector<3200x128xf32> to vector<128x128xf32>
    %dot_general3A = arith.constant dense<0.000000e+00> : vector<128x128xf32>
    %dot_general3A_6 = tpu.matmul %slice3A, %convert_element_type3A_5, %dot_general3A {dimension_numbers = #tpu.dot_dimension_numbers<[0], [0], [1], [1], [0, 1, 1, 1], [], []>, transpose_lhs_hint = false} : vector<128x128xf32>, vector<128x128xf32>, vector<128x128xf32> -> vector<128x128xf32>
    %slice3A_7 = vector.extract_strided_slice %dot_general3A_6 {offsets = [0, 0], sizes = [64, 128], strides = [1, 1]} : vector<128x128xf32> to vector<64x128xf32>
    %swap3A = arith.constant 0 : index
    %swap3A_8 = arith.constant 0 : index
    %swap3A_9 = arith.constant 0 : index
    %swap3A_10 = vector.load %arg2[%swap3A, %swap3A_8, %swap3A_9] : memref<50x64x128xf32, #tpu.memory_space<vmem>>, vector<1x64x128xf32>
    %swap3A_11 = vector.shape_cast %swap3A_10 : vector<1x64x128xf32> to vector<64x128xf32>
    %swap3A_12 = vector.shape_cast %slice3A_7 : vector<64x128xf32> to vector<1x64x128xf32>
    tpu.vector_store %arg2[%swap3A, %swap3A_8, %swap3A_9], %swap3A_12 {strides = array<i32>} : memref<50x64x128xf32, #tpu.memory_space<vmem>>, vector<1x64x128xf32>,
    %slice3A_13 = vector.extract_strided_slice %dot_general3A_6 {offsets = [64, 0], sizes = [64, 128], strides = [1, 1]} : vector<128x128xf32> to vector<64x128xf32>
    %swap3A_14 = arith.constant 1 : index
    %swap3A_15 = arith.constant 0 : index
    %swap3A_16 = arith.constant 0 : index
    %swap3A_17 = vector.load %arg2[%swap3A_14, %swap3A_15, %swap3A_16] : memref<50x64x128xf32, #tpu.memory_space<vmem>>, vector<1x64x128xf32>
    %swap3A_18 = vector.shape_cast %swap3A_17 : vector<1x64x128xf32> to vector<64x128xf32>
    %swap3A_19 = vector.shape_cast %slice3A_13 : vector<64x128xf32> to vector<1x64x128xf32>
    tpu.vector_store %arg2[%swap3A_14, %swap3A_15, %swap3A_16], %swap3A_19 {strides = array<i32>} : memref<50x64x128xf32, #tpu.memory_space<vmem>>, vector<1x64x128xf32>,
    %slice3A_20 = vector.extract_strided_slice %get3A_1 {offsets = [128, 0], sizes = [128, 128], strides = [1, 1]} : vector<3200x128xf32> to vector<128x128xf32>
    %dot_general3A_21 = arith.constant dense<0.000000e+00> : vector<128x128xf32>
    %dot_general3A_22 = tpu.matmul %slice3A_20, %convert_element_type3A_5, %dot_general3A_21 {dimension_numbers = #tpu.dot_dimension_numbers<[0], [0], [1], [1], [0, 1, 1, 1], [], []>, transpose_lhs_hint = false} : vector<128x128xf32>, vector<128x128xf32>, vector<128x128xf32> -> vector<128x128xf32>
    %slice3A_23 = vector.extract_strided_slice %dot_general3A_22 {offsets = [0, 0], sizes = [64, 128], strides = [1, 1]} : vector<128x128xf32> to vector<64x128xf32>
    %swap3A_24 = arith.constant 2 : index
    %swap3A_25 = arith.constant 0 : index
    %swap3A_26 = arith.constant 0 : index
    %swap3A_27 = vector.load %arg2[%swap3A_24, %swap3A_25, %swap3A_26] : memref<50x64x128xf32, #tpu.memory_space<vmem>>, vector<1x64x128xf32>
    %swap3A_28 = vector.shape_cast %swap3A_27 : vector<1x64x128xf32> to vector<64x128xf32>
    %swap3A_29 = vector.shape_cast %slice3A_23 : vector<64x128xf32> to vector<1x64x128xf32>
    tpu.vector_store %arg2[%swap3A_24, %swap3A_25, %swap3A_26], %swap3A_29 {strides = array<i32>} : memref<50x64x128xf32, #tpu.memory_space<vmem>>, vector<1x64x128xf32>,
    %slice3A_30 = vector.extract_strided_slice %dot_general3A_22 {offsets = [64, 0], sizes = [64, 128], strides = [1, 1]} : vector<128x128xf32> to vector<64x128xf32>
    %swap3A_31 = arith.constant 3 : index
    %swap3A_32 = arith.constant 0 : index
    %swap3A_33 = arith.constant 0 : index
    %swap3A_34 = vector.load %arg2[%swap3A_31, %swap3A_32, %swap3A_33] : memref<50x64x128xf32, #tpu.memory_space<vmem>>, vector<1x64x128xf32>
    %swap3A_35 = vector.shape_cast %swap3A_34 : vector<1x64x128xf32> to vector<64x128xf32>
    %swap3A_36 = vector.shape_cast %slice3A_30 : vector<64x128xf32> to vector<1x64x128xf32>
    tpu.vector_store %arg2[%swap3A_31, %swap3A_32, %swap3A_33], %swap3A_36 {strides = array<i32>} : memref<50x64x128xf32, #tpu.memory_space<vmem>>, vector<1x64x128xf32>,
    %slice3A_37 = vector.extract_strided_slice %get3A_1 {offsets = [256, 0], sizes = [128, 128], strides = [1, 1]} : vector<3200x128xf32> to vector<128x128xf32>
    %dot_general3A_38 = arith.constant dense<0.000000e+00> : vector<128x128xf32>
    %dot_general3A_39 = tpu.matmul %slice3A_37, %convert_element_type3A_5, %dot_general3A_38 {dimension_numbers = #tpu.dot_dimension_numbers<[0], [0], [1], [1], [0, 1, 1, 1], [], []>, transpose_lhs_hint = false} : vector<128x128xf32>, vector<128x128xf32>, vector<128x128xf32> -> vector<128x128xf32>
    %slice3A_40 = vector.extract_strided_slice %dot_general3A_39 {offsets = [0, 0], sizes = [64, 128], strides = [1, 1]} : vector<128x128xf32> to vector<64x128xf32>
    %swap3A_41 = arith.constant 4 : index
    %swap3A_42 = arith.constant 0 : index
    %swap3A_43 = arith.constant 0 : index
    %swap3A_44 = vector.load %arg2[%swap3A_41, %swap3A_42, %swap3A_43] : memref<50x64x128xf32, #tpu.memory_space<vmem>>, vector<1x64x128xf32>
    %swap3A_45 = vector.shape_cast %swap3A_44 : vector<1x64x128xf32> to vector<64x128xf32>
    %swap3A_46 = vector.shape_cast %slice3A_40 : vector<64x128xf32> to vector<1x64x128xf32>
    tpu.vector_store %arg2[%swap3A_41, %swap3A_42, %swap3A_43], %swap3A_46 {strides = array<i32>} : memref<50x64x128xf32, #tpu.memory_space<vmem>>, vector<1x64x128xf32>,
    %slice3A_47 = vector.extract_strided_slice %dot_general3A_39 {offsets = [64, 0], sizes = [64, 128], strides = [1, 1]} : vector<128x128xf32> to vector<64x128xf32>
    %swap3A_48 = arith.constant 5 : index
    %swap3A_49 = arith.constant 0 : index
    %swap3A_50 = arith.constant 0 : index
    %swap3A_51 = vector.load %arg2[%swap3A_48, %swap3A_49, %swap3A_50] : memref<50x64x128xf32, #tpu.memory_space<vmem>>, vector<1x64x128xf32>
    %swap3A_52 = vector.shape_cast %swap3A_51 : vector<1x64x128xf32> to vector<64x128xf32>
    %swap3A_53 = vector.shape_cast %slice3A_47 : vector<64x128xf32> to vector<1x64x128xf32>
    tpu.vector_store %arg2[%swap3A_48, %swap3A_49, %swap3A_50], %swap3A_53 {strides = array<i32>} : memref<50x64x128xf32, #tpu.memory_space<vmem>>, vector<1x64x128xf32>,
    %slice3A_54 = vector.extract_strided_slice %get3A_1 {offsets = [384, 0], sizes = [128, 128], strides = [1, 1]} : vector<3200x128xf32> to vector<128x128xf32>
    %dot_general3A_55 = arith.constant dense<0.000000e+00> : vector<128x128xf32>
    %dot_general3A_56 = tpu.matmul %slice3A_54, %convert_element_type3A_5, %dot_general3A_55 {dimension_numbers = #tpu.dot_dimension_numbers<[0], [0], [1], [1], [0, 1, 1, 1], [], []>, transpose_lhs_hint = false} : vector<128x128xf32>, vector<128x128xf32>, vector<128x128xf32> -> vector<128x128xf32>
    %slice3A_57 = vector.extract_strided_slice %dot_general3A_56 {offsets = [0, 0], sizes = [64, 128], strides = [1, 1]} : vector<128x128xf32> to vector<64x128xf32>
    %swap3A_58 = arith.constant 6 : index
    %swap3A_59 = arith.constant 0 : index
    %swap3A_60 = arith.constant 0 : index
    %swap3A_61 = vector.load %arg2[%swap3A_58, %swap3A_59, %swap3A_60] : memref<50x64x128xf32, #tpu.memory_space<vmem>>, vector<1x64x128xf32>
    %swap3A_62 = vector.shape_cast %swap3A_61 : vector<1x64x128xf32> to vector<64x128xf32>
    %swap3A_63 = vector.shape_cast %slice3A_57 : vector<64x128xf32> to vector<1x64x128xf32>
    tpu.vector_store %arg2[%swap3A_58, %swap3A_59, %swap3A_60], %swap3A_63 {strides = array<i32>} : memref<50x64x128xf32, #tpu.memory_space<vmem>>, vector<1x64x128xf32>,
    %slice3A_64 = vector.extract_strided_slice %dot_general3A_56 {offsets = [64, 0], sizes = [64, 128], strides = [1, 1]} : vector<128x128xf32> to vector<64x128xf32>
    %swap3A_65 = arith.constant 7 : index
    %swap3A_66 = arith.constant 0 : index
    %swap3A_67 = arith.constant 0 : index
    %swap3A_68 = vector.load %arg2[%swap3A_65, %swap3A_66, %swap3A_67] : memref<50x64x128xf32, #tpu.memory_space<vmem>>, vector<1x64x128xf32>
    %swap3A_69 = vector.shape_cast %swap3A_68 : vector<1x64x128xf32> to vector<64x128xf32>
    %swap3A_70 = vector.shape_cast %slice3A_64 : vector<64x128xf32> to vector<1x64x128xf32>
    tpu.vector_store %arg2[%swap3A_65, %swap3A_66, %swap3A_67], %swap3A_70 {strides = array<i32>} : memref<50x64x128xf32, #tpu.memory_space<vmem>>, vector<1x64x128xf32>,
    %slice3A_71 = vector.extract_strided_slice %get3A_1 {offsets = [512, 0], sizes = [128, 128], strides = [1, 1]} : vector<3200x128xf32> to vector<128x128xf32>
    %dot_general3A_72 = arith.constant dense<0.000000e+00> : vector<128x128xf32>
    %dot_general3A_73 = tpu.matmul %slice3A_71, %convert_element_type3A_5, %dot_general3A_72 {dimension_numbers = #tpu.dot_dimension_numbers<[0], [0], [1], [1], [0, 1, 1, 1], [], []>, transpose_lhs_hint = false} : vector<128x128xf32>, vector<128x128xf32>, vector<128x128xf32> -> vector<128x128xf32>
    %slice3A_74 = vector.extract_strided_slice %dot_general3A_73 {offsets = [0, 0], sizes = [64, 128], strides = [1, 1]} : vector<128x128xf32> to vector<64x128xf32>
    %swap3A_75 = arith.constant 8 : index
    %swap3A_76 = arith.constant 0 : index
    %swap3A_77 = arith.constant 0 : index
    %swap3A_78 = vector.load %arg2[%swap3A_75, %swap3A_76, %swap3A_77] : memref<50x64x128xf32, #tpu.memory_space<vmem>>, vector<1x64x128xf32>
    %swap3A_79 = vector.shape_cast %swap3A_78 : vector<1x64x128xf32> to vector<64x128xf32>
    %swap3A_80 = vector.shape_cast %slice3A_74 : vector<64x128xf32> to vector<1x64x128xf32>
    tpu.vector_store %arg2[%swap3A_75, %swap3A_76, %swap3A_77], %swap3A_80 {strides = array<i32>} : memref<50x64x128xf32, #tpu.memory_space<vmem>>, vector<1x64x128xf32>,
    %slice3A_81 = vector.extract_strided_slice %dot_general3A_73 {offsets = [64, 0], sizes = [64, 128], strides = [1, 1]} : vector<128x128xf32> to vector<64x128xf32>
    %swap3A_82 = arith.constant 9 : index
    %swap3A_83 = arith.constant 0 : index
    %swap3A_84 = arith.constant 0 : index
    %swap3A_85 = vector.load %arg2[%swap3A_82, %swap3A_83, %swap3A_84] : memref<50x64x128xf32, #tpu.memory_space<vmem>>, vector<1x64x128xf32>
    %swap3A_86 = vector.shape_cast %swap3A_85 : vector<1x64x128xf32> to vector<64x128xf32>
    %swap3A_87 = vector.shape_cast %slice3A_81 : vector<64x128xf32> to vector<1x64x128xf32>
    tpu.vector_store %arg2[%swap3A_82, %swap3A_83, %swap3A_84], %swap3A_87 {strides = array<i32>} : memref<50x64x128xf32, #tpu.memory_space<vmem>>, vector<1x64x128xf32>,
    %slice3A_88 = vector.extract_strided_slice %get3A_1 {offsets = [640, 0], sizes = [128, 128], strides = [1, 1]} : vector<3200x128xf32> to vector<128x128xf32>
    %dot_general3A_89 = arith.constant dense<0.000000e+00> : vector<128x128xf32>
    %dot_general3A_90 = tpu.matmul %slice3A_88, %convert_element_type3A_5, %dot_general3A_89 {dimension_numbers = #tpu.dot_dimension_numbers<[0], [0], [1], [1], [0, 1, 1, 1], [], []>, transpose_lhs_hint = false} : vector<128x128xf32>, vector<128x128xf32>, vector<128x128xf32> -> vector<128x128xf32>
    %slice3A_91 = vector.extract_strided_slice %dot_general3A_90 {offsets = [0, 0], sizes = [64, 128], strides = [1, 1]} : vector<128x128xf32> to vector<64x128xf32>
    %swap3A_92 = arith.constant 10 : index
    %swap3A_93 = arith.constant 0 : index
    %swap3A_94 = arith.constant 0 : index
    %swap3A_95 = vector.load %arg2[%swap3A_92, %swap3A_93, %swap3A_94] : memref<50x64x128xf32, #tpu.memory_space<vmem>>, vector<1x64x128xf32>
    %swap3A_96 = vector.shape_cast %swap3A_95 : vector<1x64x128xf32> to vector<64x128xf32>
    %swap3A_97 = vector.shape_cast %slice3A_91 : vector<64x128xf32> to vector<1x64x128xf32>
    tpu.vector_store %arg2[%swap3A_92, %swap3A_93, %swap3A_94], %swap3A_97 {strides = array<i32>} : memref<50x64x128xf32, #tpu.memory_space<vmem>>, vector<1x64x128xf32>,
    %slice3A_98 = vector.extract_strided_slice %dot_general3A_90 {offsets = [64, 0], sizes = [64, 128], strides = [1, 1]} : vector<128x128xf32> to vector<64x128xf32>
    %swap3A_99 = arith.constant 11 : index
    %swap3A_100 = arith.constant 0 : index
    %swap3A_101 = arith.constant 0 : index
    %swap3A_102 = vector.load %arg2[%swap3A_99, %swap3A_100, %swap3A_101] : memref<50x64x128xf32, #tpu.memory_space<vmem>>, vector<1x64x128xf32>
    %swap3A_103 = vector.shape_cast %swap3A_102 : vector<1x64x128xf32> to vector<64x128xf32>
    %swap3A_104 = vector.shape_cast %slice3A_98 : vector<64x128xf32> to vector<1x64x128xf32>
    tpu.vector_store %arg2[%swap3A_99, %swap3A_100, %swap3A_101], %swap3A_104 {strides = array<i32>} : memref<50x64x128xf32, #tpu.memory_space<vmem>>, vector<1x64x128xf32>,
    %slice3A_105 = vector.extract_strided_slice %get3A_1 {offsets = [768, 0], sizes = [128, 128], strides = [1, 1]} : vector<3200x128xf32> to vector<128x128xf32>
    %dot_general3A_106 = arith.constant dense<0.000000e+00> : vector<128x128xf32>
    %dot_general3A_107 = tpu.matmul %slice3A_105, %convert_element_type3A_5, %dot_general3A_106 {dimension_numbers = #tpu.dot_dimension_numbers<[0], [0], [1], [1], [0, 1, 1, 1], [], []>, transpose_lhs_hint = false} : vector<128x128xf32>, vector<128x128xf32>, vector<128x128xf32> -> vector<128x128xf32>
    %slice3A_108 = vector.extract_strided_slice %dot_general3A_107 {offsets = [0, 0], sizes = [64, 128], strides = [1, 1]} : vector<128x128xf32> to vector<64x128xf32>
    %swap3A_109 = arith.constant 12 : index
    %swap3A_110 = arith.constant 0 : index
    %swap3A_111 = arith.constant 0 : index
    %swap3A_112 = vector.load %arg2[%swap3A_109, %swap3A_110, %swap3A_111] : memref<50x64x128xf32, #tpu.memory_space<vmem>>, vector<1x64x128xf32>
    %swap3A_113 = vector.shape_cast %swap3A_112 : vector<1x64x128xf32> to vector<64x128xf32>
    %swap3A_114 = vector.shape_cast %slice3A_108 : vector<64x128xf32> to vector<1x64x128xf32>
    tpu.vector_store %arg2[%swap3A_109, %swap3A_110, %swap3A_111], %swap3A_114 {strides = array<i32>} : memref<50x64x128xf32, #tpu.memory_space<vmem>>, vector<1x64x128xf32>,
    %slice3A_115 = vector.extract_strided_slice %dot_general3A_107 {offsets = [64, 0], sizes = [64, 128], strides = [1, 1]} : vector<128x128xf32> to vector<64x128xf32>
    %swap3A_116 = arith.constant 13 : index
    %swap3A_117 = arith.constant 0 : index
    %swap3A_118 = arith.constant 0 : index
    %swap3A_119 = vector.load %arg2[%swap3A_116, %swap3A_117, %swap3A_118] : memref<50x64x128xf32, #tpu.memory_space<vmem>>, vector<1x64x128xf32>
    %swap3A_120 = vector.shape_cast %swap3A_119 : vector<1x64x128xf32> to vector<64x128xf32>
    %swap3A_121 = vector.shape_cast %slice3A_115 : vector<64x128xf32> to vector<1x64x128xf32>
    tpu.vector_store %arg2[%swap3A_116, %swap3A_117, %swap3A_118], %swap3A_121 {strides = array<i32>} : memref<50x64x128xf32, #tpu.memory_space<vmem>>, vector<1x64x128xf32>,
    %slice3A_122 = vector.extract_strided_slice %get3A_1 {offsets = [896, 0], sizes = [128, 128], strides = [1, 1]} : vector<3200x128xf32> to vector<128x128xf32>
    %dot_general3A_123 = arith.constant dense<0.000000e+00> : vector<128x128xf32>
    %dot_general3A_124 = tpu.matmul %slice3A_122, %convert_element_type3A_5, %dot_general3A_123 {dimension_numbers = #tpu.dot_dimension_numbers<[0], [0], [1], [1], [0, 1, 1, 1], [], []>, transpose_lhs_hint = false} : vector<128x128xf32>, vector<128x128xf32>, vector<128x128xf32> -> vector<128x128xf32>
    %slice3A_125 = vector.extract_strided_slice %dot_general3A_124 {offsets = [0, 0], sizes = [64, 128], strides = [1, 1]} : vector<128x128xf32> to vector<64x128xf32>
    %swap3A_126 = arith.constant 14 : index
    %swap3A_127 = arith.constant 0 : index
    %swap3A_128 = arith.constant 0 : index
    %swap3A_129 = vector.load %arg2[%swap3A_126, %swap3A_127, %swap3A_128] : memref<50x64x128xf32, #tpu.memory_space<vmem>>, vector<1x64x128xf32>
    %swap3A_130 = vector.shape_cast %swap3A_129 : vector<1x64x128xf32> to vector<64x128xf32>
    %swap3A_131 = vector.shape_cast %slice3A_125 : vector<64x128xf32> to vector<1x64x128xf32>
    tpu.vector_store %arg2[%swap3A_126, %swap3A_127, %swap3A_128], %swap3A_131 {strides = array<i32>} : memref<50x64x128xf32, #tpu.memory_space<vmem>>, vector<1x64x128xf32>,
    %slice3A_132 = vector.extract_strided_slice %dot_general3A_124 {offsets = [64, 0], sizes = [64, 128], strides = [1, 1]} : vector<128x128xf32> to vector<64x128xf32>
    %swap3A_133 = arith.constant 15 : index
    %swap3A_134 = arith.constant 0 : index
    %swap3A_135 = arith.constant 0 : index
    %swap3A_136 = vector.load %arg2[%swap3A_133, %swap3A_134, %swap3A_135] : memref<50x64x128xf32, #tpu.memory_space<vmem>>, vector<1x64x128xf32>
    %swap3A_137 = vector.shape_cast %swap3A_136 : vector<1x64x128xf32> to vector<64x128xf32>
    %swap3A_138 = vector.shape_cast %slice3A_132 : vector<64x128xf32> to vector<1x64x128xf32>
    tpu.vector_store %arg2[%swap3A_133, %swap3A_134, %swap3A_135], %swap3A_138 {strides = array<i32>} : memref<50x64x128xf32, #tpu.memory_space<vmem>>, vector<1x64x128xf32>,
    %slice3A_139 = vector.extract_strided_slice %get3A_1 {offsets = [1024, 0], sizes = [128, 128], strides = [1, 1]} : vector<3200x128xf32> to vector<128x128xf32>
    %dot_general3A_140 = arith.constant dense<0.000000e+00> : vector<128x128xf32>
    %dot_general3A_141 = tpu.matmul %slice3A_139, %convert_element_type3A_5, %dot_general3A_140 {dimension_numbers = #tpu.dot_dimension_numbers<[0], [0], [1], [1], [0, 1, 1, 1], [], []>, transpose_lhs_hint = false} : vector<128x128xf32>, vector<128x128xf32>, vector<128x128xf32> -> vector<128x128xf32>
    %slice3A_142 = vector.extract_strided_slice %dot_general3A_141 {offsets = [0, 0], sizes = [64, 128], strides = [1, 1]} : vector<128x128xf32> to vector<64x128xf32>
    %swap3A_143 = arith.constant 16 : index
    %swap3A_144 = arith.constant 0 : index
    %swap3A_145 = arith.constant 0 : index
    %swap3A_146 = vector.load %arg2[%swap3A_143, %swap3A_144, %swap3A_145] : memref<50x64x128xf32, #tpu.memory_space<vmem>>, vector<1x64x128xf32>
    %swap3A_147 = vector.shape_cast %swap3A_146 : vector<1x64x128xf32> to vector<64x128xf32>
    %swap3A_148 = vector.shape_cast %slice3A_142 : vector<64x128xf32> to vector<1x64x128xf32>
    tpu.vector_store %arg2[%swap3A_143, %swap3A_144, %swap3A_145], %swap3A_148 {strides = array<i32>} : memref<50x64x128xf32, #tpu.memory_space<vmem>>, vector<1x64x128xf32>,
    %slice3A_149 = vector.extract_strided_slice %dot_general3A_141 {offsets = [64, 0], sizes = [64, 128], strides = [1, 1]} : vector<128x128xf32> to vector<64x128xf32>
    %swap3A_150 = arith.constant 17 : index
    %swap3A_151 = arith.constant 0 : index
    %swap3A_152 = arith.constant 0 : index
    %swap3A_153 = vector.load %arg2[%swap3A_150, %swap3A_151, %swap3A_152] : memref<50x64x128xf32, #tpu.memory_space<vmem>>, vector<1x64x128xf32>
    %swap3A_154 = vector.shape_cast %swap3A_153 : vector<1x64x128xf32> to vector<64x128xf32>
    %swap3A_155 = vector.shape_cast %slice3A_149 : vector<64x128xf32> to vector<1x64x128xf32>
    tpu.vector_store %arg2[%swap3A_150, %swap3A_151, %swap3A_152], %swap3A_155 {strides = array<i32>} : memref<50x64x128xf32, #tpu.memory_space<vmem>>, vector<1x64x128xf32>,
    %slice3A_156 = vector.extract_strided_slice %get3A_1 {offsets = [1152, 0], sizes = [128, 128], strides = [1, 1]} : vector<3200x128xf32> to vector<128x128xf32>
    %dot_general3A_157 = arith.constant dense<0.000000e+00> : vector<128x128xf32>
    %dot_general3A_158 = tpu.matmul %slice3A_156, %convert_element_type3A_5, %dot_general3A_157 {dimension_numbers = #tpu.dot_dimension_numbers<[0], [0], [1], [1], [0, 1, 1, 1], [], []>, transpose_lhs_hint = false} : vector<128x128xf32>, vector<128x128xf32>, vector<128x128xf32> -> vector<128x128xf32>
    %slice3A_159 = vector.extract_strided_slice %dot_general3A_158 {offsets = [0, 0], sizes = [64, 128], strides = [1, 1]} : vector<128x128xf32> to vector<64x128xf32>
    %swap3A_160 = arith.constant 18 : index
    %swap3A_161 = arith.constant 0 : index
    %swap3A_162 = arith.constant 0 : index
    %swap3A_163 = vector.load %arg2[%swap3A_160, %swap3A_161, %swap3A_162] : memref<50x64x128xf32, #tpu.memory_space<vmem>>, vector<1x64x128xf32>
    %swap3A_164 = vector.shape_cast %swap3A_163 : vector<1x64x128xf32> to vector<64x128xf32>
    %swap3A_165 = vector.shape_cast %slice3A_159 : vector<64x128xf32> to vector<1x64x128xf32>
    tpu.vector_store %arg2[%swap3A_160, %swap3A_161, %swap3A_162], %swap3A_165 {strides = array<i32>} : memref<50x64x128xf32, #tpu.memory_space<vmem>>, vector<1x64x128xf32>,
    %slice3A_166 = vector.extract_strided_slice %dot_general3A_158 {offsets = [64, 0], sizes = [64, 128], strides = [1, 1]} : vector<128x128xf32> to vector<64x128xf32>
    %swap3A_167 = arith.constant 19 : index
    %swap3A_168 = arith.constant 0 : index
    %swap3A_169 = arith.constant 0 : index
    %swap3A_170 = vector.load %arg2[%swap3A_167, %swap3A_168, %swap3A_169] : memref<50x64x128xf32, #tpu.memory_space<vmem>>, vector<1x64x128xf32>
    %swap3A_171 = vector.shape_cast %swap3A_170 : vector<1x64x128xf32> to vector<64x128xf32>
    %swap3A_172 = vector.shape_cast %slice3A_166 : vector<64x128xf32> to vector<1x64x128xf32>
    tpu.vector_store %arg2[%swap3A_167, %swap3A_168, %swap3A_169], %swap3A_172 {strides = array<i32>} : memref<50x64x128xf32, #tpu.memory_space<vmem>>, vector<1x64x128xf32>,
    %slice3A_173 = vector.extract_strided_slice %get3A_1 {offsets = [1280, 0], sizes = [128, 128], strides = [1, 1]} : vector<3200x128xf32> to vector<128x128xf32>
    %dot_general3A_174 = arith.constant dense<0.000000e+00> : vector<128x128xf32>
    %dot_general3A_175 = tpu.matmul %slice3A_173, %convert_element_type3A_5, %dot_general3A_174 {dimension_numbers = #tpu.dot_dimension_numbers<[0], [0], [1], [1], [0, 1, 1, 1], [], []>, transpose_lhs_hint = false} : vector<128x128xf32>, vector<128x128xf32>, vector<128x128xf32> -> vector<128x128xf32>
    %slice3A_176 = vector.extract_strided_slice %dot_general3A_175 {offsets = [0, 0], sizes = [64, 128], strides = [1, 1]} : vector<128x128xf32> to vector<64x128xf32>
    %swap3A_177 = arith.constant 20 : index
    %swap3A_178 = arith.constant 0 : index
    %swap3A_179 = arith.constant 0 : index
    %swap3A_180 = vector.load %arg2[%swap3A_177, %swap3A_178, %swap3A_179] : memref<50x64x128xf32, #tpu.memory_space<vmem>>, vector<1x64x128xf32>
    %swap3A_181 = vector.shape_cast %swap3A_180 : vector<1x64x128xf32> to vector<64x128xf32>
    %swap3A_182 = vector.shape_cast %slice3A_176 : vector<64x128xf32> to vector<1x64x128xf32>
    tpu.vector_store %arg2[%swap3A_177, %swap3A_178, %swap3A_179], %swap3A_182 {strides = array<i32>} : memref<50x64x128xf32, #tpu.memory_space<vmem>>, vector<1x64x128xf32>,
    %slice3A_183 = vector.extract_strided_slice %dot_general3A_175 {offsets = [64, 0], sizes = [64, 128], strides = [1, 1]} : vector<128x128xf32> to vector<64x128xf32>
    %swap3A_184 = arith.constant 21 : index
    %swap3A_185 = arith.constant 0 : index
    %swap3A_186 = arith.constant 0 : index
    %swap3A_187 = vector.load %arg2[%swap3A_184, %swap3A_185, %swap3A_186] : memref<50x64x128xf32, #tpu.memory_space<vmem>>, vector<1x64x128xf32>
    %swap3A_188 = vector.shape_cast %swap3A_187 : vector<1x64x128xf32> to vector<64x128xf32>
    %swap3A_189 = vector.shape_cast %slice3A_183 : vector<64x128xf32> to vector<1x64x128xf32>
    tpu.vector_store %arg2[%swap3A_184, %swap3A_185, %swap3A_186], %swap3A_189 {strides = array<i32>} : memref<50x64x128xf32, #tpu.memory_space<vmem>>, vector<1x64x128xf32>,
    %slice3A_190 = vector.extract_strided_slice %get3A_1 {offsets = [1408, 0], sizes = [128, 128], strides = [1, 1]} : vector<3200x128xf32> to vector<128x128xf32>
    %dot_general3A_191 = arith.constant dense<0.000000e+00> : vector<128x128xf32>
    %dot_general3A_192 = tpu.matmul %slice3A_190, %convert_element_type3A_5, %dot_general3A_191 {dimension_numbers = #tpu.dot_dimension_numbers<[0], [0], [1], [1], [0, 1, 1, 1], [], []>, transpose_lhs_hint = false} : vector<128x128xf32>, vector<128x128xf32>, vector<128x128xf32> -> vector<128x128xf32>
    %slice3A_193 = vector.extract_strided_slice %dot_general3A_192 {offsets = [0, 0], sizes = [64, 128], strides = [1, 1]} : vector<128x128xf32> to vector<64x128xf32>
    %swap3A_194 = arith.constant 22 : index
    %swap3A_195 = arith.constant 0 : index
    %swap3A_196 = arith.constant 0 : index
    %swap3A_197 = vector.load %arg2[%swap3A_194, %swap3A_195, %swap3A_196] : memref<50x64x128xf32, #tpu.memory_space<vmem>>, vector<1x64x128xf32>
    %swap3A_198 = vector.shape_cast %swap3A_197 : vector<1x64x128xf32> to vector<64x128xf32>
    %swap3A_199 = vector.shape_cast %slice3A_193 : vector<64x128xf32> to vector<1x64x128xf32>
    tpu.vector_store %arg2[%swap3A_194, %swap3A_195, %swap3A_196], %swap3A_199 {strides = array<i32>} : memref<50x64x128xf32, #tpu.memory_space<vmem>>, vector<1x64x128xf32>,
    %slice3A_200 = vector.extract_strided_slice %dot_general3A_192 {offsets = [64, 0], sizes = [64, 128], strides = [1, 1]} : vector<128x128xf32> to vector<64x128xf32>
    %swap3A_201 = arith.constant 23 : index
    %swap3A_202 = arith.constant 0 : index
    %swap3A_203 = arith.constant 0 : index
    %swap3A_204 = vector.load %arg2[%swap3A_201, %swap3A_202, %swap3A_203] : memref<50x64x128xf32, #tpu.memory_space<vmem>>, vector<1x64x128xf32>
    %swap3A_205 = vector.shape_cast %swap3A_204 : vector<1x64x128xf32> to vector<64x128xf32>
    %swap3A_206 = vector.shape_cast %slice3A_200 : vector<64x128xf32> to vector<1x64x128xf32>
    tpu.vector_store %arg2[%swap3A_201, %swap3A_202, %swap3A_203], %swap3A_206 {strides = array<i32>} : memref<50x64x128xf32, #tpu.memory_space<vmem>>, vector<1x64x128xf32>,
    %slice3A_207 = vector.extract_strided_slice %get3A_1 {offsets = [1536, 0], sizes = [128, 128], strides = [1, 1]} : vector<3200x128xf32> to vector<128x128xf32>
    %dot_general3A_208 = arith.constant dense<0.000000e+00> : vector<128x128xf32>
    %dot_general3A_209 = tpu.matmul %slice3A_207, %convert_element_type3A_5, %dot_general3A_208 {dimension_numbers = #tpu.dot_dimension_numbers<[0], [0], [1], [1], [0, 1, 1, 1], [], []>, transpose_lhs_hint = false} : vector<128x128xf32>, vector<128x128xf32>, vector<128x128xf32> -> vector<128x128xf32>
    %slice3A_210 = vector.extract_strided_slice %dot_general3A_209 {offsets = [0, 0], sizes = [64, 128], strides = [1, 1]} : vector<128x128xf32> to vector<64x128xf32>
    %swap3A_211 = arith.constant 24 : index
    %swap3A_212 = arith.constant 0 : index
    %swap3A_213 = arith.constant 0 : index
    %swap3A_214 = vector.load %arg2[%swap3A_211, %swap3A_212, %swap3A_213] : memref<50x64x128xf32, #tpu.memory_space<vmem>>, vector<1x64x128xf32>
    %swap3A_215 = vector.shape_cast %swap3A_214 : vector<1x64x128xf32> to vector<64x128xf32>
    %swap3A_216 = vector.shape_cast %slice3A_210 : vector<64x128xf32> to vector<1x64x128xf32>
    tpu.vector_store %arg2[%swap3A_211, %swap3A_212, %swap3A_213], %swap3A_216 {strides = array<i32>} : memref<50x64x128xf32, #tpu.memory_space<vmem>>, vector<1x64x128xf32>,
    %slice3A_217 = vector.extract_strided_slice %dot_general3A_209 {offsets = [64, 0], sizes = [64, 128], strides = [1, 1]} : vector<128x128xf32> to vector<64x128xf32>
    %swap3A_218 = arith.constant 25 : index
    %swap3A_219 = arith.constant 0 : index
    %swap3A_220 = arith.constant 0 : index
    %swap3A_221 = vector.load %arg2[%swap3A_218, %swap3A_219, %swap3A_220] : memref<50x64x128xf32, #tpu.memory_space<vmem>>, vector<1x64x128xf32>
    %swap3A_222 = vector.shape_cast %swap3A_221 : vector<1x64x128xf32> to vector<64x128xf32>
    %swap3A_223 = vector.shape_cast %slice3A_217 : vector<64x128xf32> to vector<1x64x128xf32>
    tpu.vector_store %arg2[%swap3A_218, %swap3A_219, %swap3A_220], %swap3A_223 {strides = array<i32>} : memref<50x64x128xf32, #tpu.memory_space<vmem>>, vector<1x64x128xf32>,
    %slice3A_224 = vector.extract_strided_slice %get3A_1 {offsets = [1664, 0], sizes = [128, 128], strides = [1, 1]} : vector<3200x128xf32> to vector<128x128xf32>
    %dot_general3A_225 = arith.constant dense<0.000000e+00> : vector<128x128xf32>
    %dot_general3A_226 = tpu.matmul %slice3A_224, %convert_element_type3A_5, %dot_general3A_225 {dimension_numbers = #tpu.dot_dimension_numbers<[0], [0], [1], [1], [0, 1, 1, 1], [], []>, transpose_lhs_hint = false} : vector<128x128xf32>, vector<128x128xf32>, vector<128x128xf32> -> vector<128x128xf32>
    %slice3A_227 = vector.extract_strided_slice %dot_general3A_226 {offsets = [0, 0], sizes = [64, 128], strides = [1, 1]} : vector<128x128xf32> to vector<64x128xf32>
    %swap3A_228 = arith.constant 26 : index
    %swap3A_229 = arith.constant 0 : index
    %swap3A_230 = arith.constant 0 : index
    %swap3A_231 = vector.load %arg2[%swap3A_228, %swap3A_229, %swap3A_230] : memref<50x64x128xf32, #tpu.memory_space<vmem>>, vector<1x64x128xf32>
    %swap3A_232 = vector.shape_cast %swap3A_231 : vector<1x64x128xf32> to vector<64x128xf32>
    %swap3A_233 = vector.shape_cast %slice3A_227 : vector<64x128xf32> to vector<1x64x128xf32>
    tpu.vector_store %arg2[%swap3A_228, %swap3A_229, %swap3A_230], %swap3A_233 {strides = array<i32>} : memref<50x64x128xf32, #tpu.memory_space<vmem>>, vector<1x64x128xf32>,
    %slice3A_234 = vector.extract_strided_slice %dot_general3A_226 {offsets = [64, 0], sizes = [64, 128], strides = [1, 1]} : vector<128x128xf32> to vector<64x128xf32>
    %swap3A_235 = arith.constant 27 : index
    %swap3A_236 = arith.constant 0 : index
    %swap3A_237 = arith.constant 0 : index
    %swap3A_238 = vector.load %arg2[%swap3A_235, %swap3A_236, %swap3A_237] : memref<50x64x128xf32, #tpu.memory_space<vmem>>, vector<1x64x128xf32>
    %swap3A_239 = vector.shape_cast %swap3A_238 : vector<1x64x128xf32> to vector<64x128xf32>
    %swap3A_240 = vector.shape_cast %slice3A_234 : vector<64x128xf32> to vector<1x64x128xf32>
    tpu.vector_store %arg2[%swap3A_235, %swap3A_236, %swap3A_237], %swap3A_240 {strides = array<i32>} : memref<50x64x128xf32, #tpu.memory_space<vmem>>, vector<1x64x128xf32>,
    %slice3A_241 = vector.extract_strided_slice %get3A_1 {offsets = [1792, 0], sizes = [128, 128], strides = [1, 1]} : vector<3200x128xf32> to vector<128x128xf32>
    %dot_general3A_242 = arith.constant dense<0.000000e+00> : vector<128x128xf32>
    %dot_general3A_243 = tpu.matmul %slice3A_241, %convert_element_type3A_5, %dot_general3A_242 {dimension_numbers = #tpu.dot_dimension_numbers<[0], [0], [1], [1], [0, 1, 1, 1], [], []>, transpose_lhs_hint = false} : vector<128x128xf32>, vector<128x128xf32>, vector<128x128xf32> -> vector<128x128xf32>
    %slice3A_244 = vector.extract_strided_slice %dot_general3A_243 {offsets = [0, 0], sizes = [64, 128], strides = [1, 1]} : vector<128x128xf32> to vector<64x128xf32>
    %swap3A_245 = arith.constant 28 : index
    %swap3A_246 = arith.constant 0 : index
    %swap3A_247 = arith.constant 0 : index
    %swap3A_248 = vector.load %arg2[%swap3A_245, %swap3A_246, %swap3A_247] : memref<50x64x128xf32, #tpu.memory_space<vmem>>, vector<1x64x128xf32>
    %swap3A_249 = vector.shape_cast %swap3A_248 : vector<1x64x128xf32> to vector<64x128xf32>
    %swap3A_250 = vector.shape_cast %slice3A_244 : vector<64x128xf32> to vector<1x64x128xf32>
    tpu.vector_store %arg2[%swap3A_245, %swap3A_246, %swap3A_247], %swap3A_250 {strides = array<i32>} : memref<50x64x128xf32, #tpu.memory_space<vmem>>, vector<1x64x128xf32>,
    %slice3A_251 = vector.extract_strided_slice %dot_general3A_243 {offsets = [64, 0], sizes = [64, 128], strides = [1, 1]} : vector<128x128xf32> to vector<64x128xf32>
    %swap3A_252 = arith.constant 29 : index
    %swap3A_253 = arith.constant 0 : index
    %swap3A_254 = arith.constant 0 : index
    %swap3A_255 = vector.load %arg2[%swap3A_252, %swap3A_253, %swap3A_254] : memref<50x64x128xf32, #tpu.memory_space<vmem>>, vector<1x64x128xf32>
    %swap3A_256 = vector.shape_cast %swap3A_255 : vector<1x64x128xf32> to vector<64x128xf32>
    %swap3A_257 = vector.shape_cast %slice3A_251 : vector<64x128xf32> to vector<1x64x128xf32>
    tpu.vector_store %arg2[%swap3A_252, %swap3A_253, %swap3A_254], %swap3A_257 {strides = array<i32>} : memref<50x64x128xf32, #tpu.memory_space<vmem>>, vector<1x64x128xf32>,
    %slice3A_258 = vector.extract_strided_slice %get3A_1 {offsets = [1920, 0], sizes = [128, 128], strides = [1, 1]} : vector<3200x128xf32> to vector<128x128xf32>
    %dot_general3A_259 = arith.constant dense<0.000000e+00> : vector<128x128xf32>
    %dot_general3A_260 = tpu.matmul %slice3A_258, %convert_element_type3A_5, %dot_general3A_259 {dimension_numbers = #tpu.dot_dimension_numbers<[0], [0], [1], [1], [0, 1, 1, 1], [], []>, transpose_lhs_hint = false} : vector<128x128xf32>, vector<128x128xf32>, vector<128x128xf32> -> vector<128x128xf32>
    %slice3A_261 = vector.extract_strided_slice %dot_general3A_260 {offsets = [0, 0], sizes = [64, 128], strides = [1, 1]} : vector<128x128xf32> to vector<64x128xf32>
    %swap3A_262 = arith.constant 30 : index
    %swap3A_263 = arith.constant 0 : index
    %swap3A_264 = arith.constant 0 : index
    %swap3A_265 = vector.load %arg2[%swap3A_262, %swap3A_263, %swap3A_264] : memref<50x64x128xf32, #tpu.memory_space<vmem>>, vector<1x64x128xf32>
    %swap3A_266 = vector.shape_cast %swap3A_265 : vector<1x64x128xf32> to vector<64x128xf32>
    %swap3A_267 = vector.shape_cast %slice3A_261 : vector<64x128xf32> to vector<1x64x128xf32>
    tpu.vector_store %arg2[%swap3A_262, %swap3A_263, %swap3A_264], %swap3A_267 {strides = array<i32>} : memref<50x64x128xf32, #tpu.memory_space<vmem>>, vector<1x64x128xf32>,
    %slice3A_268 = vector.extract_strided_slice %dot_general3A_260 {offsets = [64, 0], sizes = [64, 128], strides = [1, 1]} : vector<128x128xf32> to vector<64x128xf32>
    %swap3A_269 = arith.constant 31 : index
    %swap3A_270 = arith.constant 0 : index
    %swap3A_271 = arith.constant 0 : index
    %swap3A_272 = vector.load %arg2[%swap3A_269, %swap3A_270, %swap3A_271] : memref<50x64x128xf32, #tpu.memory_space<vmem>>, vector<1x64x128xf32>
    %swap3A_273 = vector.shape_cast %swap3A_272 : vector<1x64x128xf32> to vector<64x128xf32>
    %swap3A_274 = vector.shape_cast %slice3A_268 : vector<64x128xf32> to vector<1x64x128xf32>
    tpu.vector_store %arg2[%swap3A_269, %swap3A_270, %swap3A_271], %swap3A_274 {strides = array<i32>} : memref<50x64x128xf32, #tpu.memory_space<vmem>>, vector<1x64x128xf32>,
    %slice3A_275 = vector.extract_strided_slice %get3A_1 {offsets = [2048, 0], sizes = [128, 128], strides = [1, 1]} : vector<3200x128xf32> to vector<128x128xf32>
    %dot_general3A_276 = arith.constant dense<0.000000e+00> : vector<128x128xf32>
    %dot_general3A_277 = tpu.matmul %slice3A_275, %convert_element_type3A_5, %dot_general3A_276 {dimension_numbers = #tpu.dot_dimension_numbers<[0], [0], [1], [1], [0, 1, 1, 1], [], []>, transpose_lhs_hint = false} : vector<128x128xf32>, vector<128x128xf32>, vector<128x128xf32> -> vector<128x128xf32>
    %slice3A_278 = vector.extract_strided_slice %dot_general3A_277 {offsets = [0, 0], sizes = [64, 128], strides = [1, 1]} : vector<128x128xf32> to vector<64x128xf32>
    %swap3A_279 = arith.constant 32 : index
    %swap3A_280 = arith.constant 0 : index
    %swap3A_281 = arith.constant 0 : index
    %swap3A_282 = vector.load %arg2[%swap3A_279, %swap3A_280, %swap3A_281] : memref<50x64x128xf32, #tpu.memory_space<vmem>>, vector<1x64x128xf32>
    %swap3A_283 = vector.shape_cast %swap3A_282 : vector<1x64x128xf32> to vector<64x128xf32>
    %swap3A_284 = vector.shape_cast %slice3A_278 : vector<64x128xf32> to vector<1x64x128xf32>
    tpu.vector_store %arg2[%swap3A_279, %swap3A_280, %swap3A_281], %swap3A_284 {strides = array<i32>} : memref<50x64x128xf32, #tpu.memory_space<vmem>>, vector<1x64x128xf32>,
    %slice3A_285 = vector.extract_strided_slice %dot_general3A_277 {offsets = [64, 0], sizes = [64, 128], strides = [1, 1]} : vector<128x128xf32> to vector<64x128xf32>
    %swap3A_286 = arith.constant 33 : index
    %swap3A_287 = arith.constant 0 : index
    %swap3A_288 = arith.constant 0 : index
    %swap3A_289 = vector.load %arg2[%swap3A_286, %swap3A_287, %swap3A_288] : memref<50x64x128xf32, #tpu.memory_space<vmem>>, vector<1x64x128xf32>
    %swap3A_290 = vector.shape_cast %swap3A_289 : vector<1x64x128xf32> to vector<64x128xf32>
    %swap3A_291 = vector.shape_cast %slice3A_285 : vector<64x128xf32> to vector<1x64x128xf32>
    tpu.vector_store %arg2[%swap3A_286, %swap3A_287, %swap3A_288], %swap3A_291 {strides = array<i32>} : memref<50x64x128xf32, #tpu.memory_space<vmem>>, vector<1x64x128xf32>,
    %slice3A_292 = vector.extract_strided_slice %get3A_1 {offsets = [2176, 0], sizes = [128, 128], strides = [1, 1]} : vector<3200x128xf32> to vector<128x128xf32>
    %dot_general3A_293 = arith.constant dense<0.000000e+00> : vector<128x128xf32>
    %dot_general3A_294 = tpu.matmul %slice3A_292, %convert_element_type3A_5, %dot_general3A_293 {dimension_numbers = #tpu.dot_dimension_numbers<[0], [0], [1], [1], [0, 1, 1, 1], [], []>, transpose_lhs_hint = false} : vector<128x128xf32>, vector<128x128xf32>, vector<128x128xf32> -> vector<128x128xf32>
    %slice3A_295 = vector.extract_strided_slice %dot_general3A_294 {offsets = [0, 0], sizes = [64, 128], strides = [1, 1]} : vector<128x128xf32> to vector<64x128xf32>
    %swap3A_296 = arith.constant 34 : index
    %swap3A_297 = arith.constant 0 : index
    %swap3A_298 = arith.constant 0 : index
    %swap3A_299 = vector.load %arg2[%swap3A_296, %swap3A_297, %swap3A_298] : memref<50x64x128xf32, #tpu.memory_space<vmem>>, vector<1x64x128xf32>
    %swap3A_300 = vector.shape_cast %swap3A_299 : vector<1x64x128xf32> to vector<64x128xf32>
    %swap3A_301 = vector.shape_cast %slice3A_295 : vector<64x128xf32> to vector<1x64x128xf32>
    tpu.vector_store %arg2[%swap3A_296, %swap3A_297, %swap3A_298], %swap3A_301 {strides = array<i32>} : memref<50x64x128xf32, #tpu.memory_space<vmem>>, vector<1x64x128xf32>,
    %slice3A_302 = vector.extract_strided_slice %dot_general3A_294 {offsets = [64, 0], sizes = [64, 128], strides = [1, 1]} : vector<128x128xf32> to vector<64x128xf32>
    %swap3A_303 = arith.constant 35 : index
    %swap3A_304 = arith.constant 0 : index
    %swap3A_305 = arith.constant 0 : index
    %swap3A_306 = vector.load %arg2[%swap3A_303, %swap3A_304, %swap3A_305] : memref<50x64x128xf32, #tpu.memory_space<vmem>>, vector<1x64x128xf32>
    %swap3A_307 = vector.shape_cast %swap3A_306 : vector<1x64x128xf32> to vector<64x128xf32>
    %swap3A_308 = vector.shape_cast %slice3A_302 : vector<64x128xf32> to vector<1x64x128xf32>
    tpu.vector_store %arg2[%swap3A_303, %swap3A_304, %swap3A_305], %swap3A_308 {strides = array<i32>} : memref<50x64x128xf32, #tpu.memory_space<vmem>>, vector<1x64x128xf32>,
    %slice3A_309 = vector.extract_strided_slice %get3A_1 {offsets = [2304, 0], sizes = [128, 128], strides = [1, 1]} : vector<3200x128xf32> to vector<128x128xf32>
    %dot_general3A_310 = arith.constant dense<0.000000e+00> : vector<128x128xf32>
    %dot_general3A_311 = tpu.matmul %slice3A_309, %convert_element_type3A_5, %dot_general3A_310 {dimension_numbers = #tpu.dot_dimension_numbers<[0], [0], [1], [1], [0, 1, 1, 1], [], []>, transpose_lhs_hint = false} : vector<128x128xf32>, vector<128x128xf32>, vector<128x128xf32> -> vector<128x128xf32>
    %slice3A_312 = vector.extract_strided_slice %dot_general3A_311 {offsets = [0, 0], sizes = [64, 128], strides = [1, 1]} : vector<128x128xf32> to vector<64x128xf32>
    %swap3A_313 = arith.constant 36 : index
    %swap3A_314 = arith.constant 0 : index
    %swap3A_315 = arith.constant 0 : index
    %swap3A_316 = vector.load %arg2[%swap3A_313, %swap3A_314, %swap3A_315] : memref<50x64x128xf32, #tpu.memory_space<vmem>>, vector<1x64x128xf32>
    %swap3A_317 = vector.shape_cast %swap3A_316 : vector<1x64x128xf32> to vector<64x128xf32>
    %swap3A_318 = vector.shape_cast %slice3A_312 : vector<64x128xf32> to vector<1x64x128xf32>
    tpu.vector_store %arg2[%swap3A_313, %swap3A_314, %swap3A_315], %swap3A_318 {strides = array<i32>} : memref<50x64x128xf32, #tpu.memory_space<vmem>>, vector<1x64x128xf32>,
    %slice3A_319 = vector.extract_strided_slice %dot_general3A_311 {offsets = [64, 0], sizes = [64, 128], strides = [1, 1]} : vector<128x128xf32> to vector<64x128xf32>
    %swap3A_320 = arith.constant 37 : index
    %swap3A_321 = arith.constant 0 : index
    %swap3A_322 = arith.constant 0 : index
    %swap3A_323 = vector.load %arg2[%swap3A_320, %swap3A_321, %swap3A_322] : memref<50x64x128xf32, #tpu.memory_space<vmem>>, vector<1x64x128xf32>
    %swap3A_324 = vector.shape_cast %swap3A_323 : vector<1x64x128xf32> to vector<64x128xf32>
    %swap3A_325 = vector.shape_cast %slice3A_319 : vector<64x128xf32> to vector<1x64x128xf32>
    tpu.vector_store %arg2[%swap3A_320, %swap3A_321, %swap3A_322], %swap3A_325 {strides = array<i32>} : memref<50x64x128xf32, #tpu.memory_space<vmem>>, vector<1x64x128xf32>,
    %slice3A_326 = vector.extract_strided_slice %get3A_1 {offsets = [2432, 0], sizes = [128, 128], strides = [1, 1]} : vector<3200x128xf32> to vector<128x128xf32>
    %dot_general3A_327 = arith.constant dense<0.000000e+00> : vector<128x128xf32>
    %dot_general3A_328 = tpu.matmul %slice3A_326, %convert_element_type3A_5, %dot_general3A_327 {dimension_numbers = #tpu.dot_dimension_numbers<[0], [0], [1], [1], [0, 1, 1, 1], [], []>, transpose_lhs_hint = false} : vector<128x128xf32>, vector<128x128xf32>, vector<128x128xf32> -> vector<128x128xf32>
    %slice3A_329 = vector.extract_strided_slice %dot_general3A_328 {offsets = [0, 0], sizes = [64, 128], strides = [1, 1]} : vector<128x128xf32> to vector<64x128xf32>
    %swap3A_330 = arith.constant 38 : index
    %swap3A_331 = arith.constant 0 : index
    %swap3A_332 = arith.constant 0 : index
    %swap3A_333 = vector.load %arg2[%swap3A_330, %swap3A_331, %swap3A_332] : memref<50x64x128xf32, #tpu.memory_space<vmem>>, vector<1x64x128xf32>
    %swap3A_334 = vector.shape_cast %swap3A_333 : vector<1x64x128xf32> to vector<64x128xf32>
    %swap3A_335 = vector.shape_cast %slice3A_329 : vector<64x128xf32> to vector<1x64x128xf32>
    tpu.vector_store %arg2[%swap3A_330, %swap3A_331, %swap3A_332], %swap3A_335 {strides = array<i32>} : memref<50x64x128xf32, #tpu.memory_space<vmem>>, vector<1x64x128xf32>,
    %slice3A_336 = vector.extract_strided_slice %dot_general3A_328 {offsets = [64, 0], sizes = [64, 128], strides = [1, 1]} : vector<128x128xf32> to vector<64x128xf32>
    %swap3A_337 = arith.constant 39 : index
    %swap3A_338 = arith.constant 0 : index
    %swap3A_339 = arith.constant 0 : index
    %swap3A_340 = vector.load %arg2[%swap3A_337, %swap3A_338, %swap3A_339] : memref<50x64x128xf32, #tpu.memory_space<vmem>>, vector<1x64x128xf32>
    %swap3A_341 = vector.shape_cast %swap3A_340 : vector<1x64x128xf32> to vector<64x128xf32>
    %swap3A_342 = vector.shape_cast %slice3A_336 : vector<64x128xf32> to vector<1x64x128xf32>
    tpu.vector_store %arg2[%swap3A_337, %swap3A_338, %swap3A_339], %swap3A_342 {strides = array<i32>} : memref<50x64x128xf32, #tpu.memory_space<vmem>>, vector<1x64x128xf32>,
    %slice3A_343 = vector.extract_strided_slice %get3A_1 {offsets = [2560, 0], sizes = [128, 128], strides = [1, 1]} : vector<3200x128xf32> to vector<128x128xf32>
    %dot_general3A_344 = arith.constant dense<0.000000e+00> : vector<128x128xf32>
    %dot_general3A_345 = tpu.matmul %slice3A_343, %convert_element_type3A_5, %dot_general3A_344 {dimension_numbers = #tpu.dot_dimension_numbers<[0], [0], [1], [1], [0, 1, 1, 1], [], []>, transpose_lhs_hint = false} : vector<128x128xf32>, vector<128x128xf32>, vector<128x128xf32> -> vector<128x128xf32>
    %slice3A_346 = vector.extract_strided_slice %dot_general3A_345 {offsets = [0, 0], sizes = [64, 128], strides = [1, 1]} : vector<128x128xf32> to vector<64x128xf32>
    %swap3A_347 = arith.constant 40 : index
    %swap3A_348 = arith.constant 0 : index
    %swap3A_349 = arith.constant 0 : index
    %swap3A_350 = vector.load %arg2[%swap3A_347, %swap3A_348, %swap3A_349] : memref<50x64x128xf32, #tpu.memory_space<vmem>>, vector<1x64x128xf32>
    %swap3A_351 = vector.shape_cast %swap3A_350 : vector<1x64x128xf32> to vector<64x128xf32>
    %swap3A_352 = vector.shape_cast %slice3A_346 : vector<64x128xf32> to vector<1x64x128xf32>
    tpu.vector_store %arg2[%swap3A_347, %swap3A_348, %swap3A_349], %swap3A_352 {strides = array<i32>} : memref<50x64x128xf32, #tpu.memory_space<vmem>>, vector<1x64x128xf32>,
    %slice3A_353 = vector.extract_strided_slice %dot_general3A_345 {offsets = [64, 0], sizes = [64, 128], strides = [1, 1]} : vector<128x128xf32> to vector<64x128xf32>
    %swap3A_354 = arith.constant 41 : index
    %swap3A_355 = arith.constant 0 : index
    %swap3A_356 = arith.constant 0 : index
    %swap3A_357 = vector.load %arg2[%swap3A_354, %swap3A_355, %swap3A_356] : memref<50x64x128xf32, #tpu.memory_space<vmem>>, vector<1x64x128xf32>
    %swap3A_358 = vector.shape_cast %swap3A_357 : vector<1x64x128xf32> to vector<64x128xf32>
    %swap3A_359 = vector.shape_cast %slice3A_353 : vector<64x128xf32> to vector<1x64x128xf32>
    tpu.vector_store %arg2[%swap3A_354, %swap3A_355, %swap3A_356], %swap3A_359 {strides = array<i32>} : memref<50x64x128xf32, #tpu.memory_space<vmem>>, vector<1x64x128xf32>,
    %slice3A_360 = vector.extract_strided_slice %get3A_1 {offsets = [2688, 0], sizes = [128, 128], strides = [1, 1]} : vector<3200x128xf32> to vector<128x128xf32>
    %dot_general3A_361 = arith.constant dense<0.000000e+00> : vector<128x128xf32>
    %dot_general3A_362 = tpu.matmul %slice3A_360, %convert_element_type3A_5, %dot_general3A_361 {dimension_numbers = #tpu.dot_dimension_numbers<[0], [0], [1], [1], [0, 1, 1, 1], [], []>, transpose_lhs_hint = false} : vector<128x128xf32>, vector<128x128xf32>, vector<128x128xf32> -> vector<128x128xf32>
    %slice3A_363 = vector.extract_strided_slice %dot_general3A_362 {offsets = [0, 0], sizes = [64, 128], strides = [1, 1]} : vector<128x128xf32> to vector<64x128xf32>
    %swap3A_364 = arith.constant 42 : index
    %swap3A_365 = arith.constant 0 : index
    %swap3A_366 = arith.constant 0 : index
    %swap3A_367 = vector.load %arg2[%swap3A_364, %swap3A_365, %swap3A_366] : memref<50x64x128xf32, #tpu.memory_space<vmem>>, vector<1x64x128xf32>
    %swap3A_368 = vector.shape_cast %swap3A_367 : vector<1x64x128xf32> to vector<64x128xf32>
    %swap3A_369 = vector.shape_cast %slice3A_363 : vector<64x128xf32> to vector<1x64x128xf32>
    tpu.vector_store %arg2[%swap3A_364, %swap3A_365, %swap3A_366], %swap3A_369 {strides = array<i32>} : memref<50x64x128xf32, #tpu.memory_space<vmem>>, vector<1x64x128xf32>,
    %slice3A_370 = vector.extract_strided_slice %dot_general3A_362 {offsets = [64, 0], sizes = [64, 128], strides = [1, 1]} : vector<128x128xf32> to vector<64x128xf32>
    %swap3A_371 = arith.constant 43 : index
    %swap3A_372 = arith.constant 0 : index
    %swap3A_373 = arith.constant 0 : index
    %swap3A_374 = vector.load %arg2[%swap3A_371, %swap3A_372, %swap3A_373] : memref<50x64x128xf32, #tpu.memory_space<vmem>>, vector<1x64x128xf32>
    %swap3A_375 = vector.shape_cast %swap3A_374 : vector<1x64x128xf32> to vector<64x128xf32>
    %swap3A_376 = vector.shape_cast %slice3A_370 : vector<64x128xf32> to vector<1x64x128xf32>
    tpu.vector_store %arg2[%swap3A_371, %swap3A_372, %swap3A_373], %swap3A_376 {strides = array<i32>} : memref<50x64x128xf32, #tpu.memory_space<vmem>>, vector<1x64x128xf32>,
    %slice3A_377 = vector.extract_strided_slice %get3A_1 {offsets = [2816, 0], sizes = [128, 128], strides = [1, 1]} : vector<3200x128xf32> to vector<128x128xf32>
    %dot_general3A_378 = arith.constant dense<0.000000e+00> : vector<128x128xf32>
    %dot_general3A_379 = tpu.matmul %slice3A_377, %convert_element_type3A_5, %dot_general3A_378 {dimension_numbers = #tpu.dot_dimension_numbers<[0], [0], [1], [1], [0, 1, 1, 1], [], []>, transpose_lhs_hint = false} : vector<128x128xf32>, vector<128x128xf32>, vector<128x128xf32> -> vector<128x128xf32>
    %slice3A_380 = vector.extract_strided_slice %dot_general3A_379 {offsets = [0, 0], sizes = [64, 128], strides = [1, 1]} : vector<128x128xf32> to vector<64x128xf32>
    %swap3A_381 = arith.constant 44 : index
    %swap3A_382 = arith.constant 0 : index
    %swap3A_383 = arith.constant 0 : index
    %swap3A_384 = vector.load %arg2[%swap3A_381, %swap3A_382, %swap3A_383] : memref<50x64x128xf32, #tpu.memory_space<vmem>>, vector<1x64x128xf32>
    %swap3A_385 = vector.shape_cast %swap3A_384 : vector<1x64x128xf32> to vector<64x128xf32>
    %swap3A_386 = vector.shape_cast %slice3A_380 : vector<64x128xf32> to vector<1x64x128xf32>
    tpu.vector_store %arg2[%swap3A_381, %swap3A_382, %swap3A_383], %swap3A_386 {strides = array<i32>} : memref<50x64x128xf32, #tpu.memory_space<vmem>>, vector<1x64x128xf32>,
    %slice3A_387 = vector.extract_strided_slice %dot_general3A_379 {offsets = [64, 0], sizes = [64, 128], strides = [1, 1]} : vector<128x128xf32> to vector<64x128xf32>
    %swap3A_388 = arith.constant 45 : index
    %swap3A_389 = arith.constant 0 : index
    %swap3A_390 = arith.constant 0 : index
    %swap3A_391 = vector.load %arg2[%swap3A_388, %swap3A_389, %swap3A_390] : memref<50x64x128xf32, #tpu.memory_space<vmem>>, vector<1x64x128xf32>
    %swap3A_392 = vector.shape_cast %swap3A_391 : vector<1x64x128xf32> to vector<64x128xf32>
    %swap3A_393 = vector.shape_cast %slice3A_387 : vector<64x128xf32> to vector<1x64x128xf32>
    tpu.vector_store %arg2[%swap3A_388, %swap3A_389, %swap3A_390], %swap3A_393 {strides = array<i32>} : memref<50x64x128xf32, #tpu.memory_space<vmem>>, vector<1x64x128xf32>,
    %slice3A_394 = vector.extract_strided_slice %get3A_1 {offsets = [2944, 0], sizes = [128, 128], strides = [1, 1]} : vector<3200x128xf32> to vector<128x128xf32>
    %dot_general3A_395 = arith.constant dense<0.000000e+00> : vector<128x128xf32>
    %dot_general3A_396 = tpu.matmul %slice3A_394, %convert_element_type3A_5, %dot_general3A_395 {dimension_numbers = #tpu.dot_dimension_numbers<[0], [0], [1], [1], [0, 1, 1, 1], [], []>, transpose_lhs_hint = false} : vector<128x128xf32>, vector<128x128xf32>, vector<128x128xf32> -> vector<128x128xf32>
    %slice3A_397 = vector.extract_strided_slice %dot_general3A_396 {offsets = [0, 0], sizes = [64, 128], strides = [1, 1]} : vector<128x128xf32> to vector<64x128xf32>
    %swap3A_398 = arith.constant 46 : index
    %swap3A_399 = arith.constant 0 : index
    %swap3A_400 = arith.constant 0 : index
    %swap3A_401 = vector.load %arg2[%swap3A_398, %swap3A_399, %swap3A_400] : memref<50x64x128xf32, #tpu.memory_space<vmem>>, vector<1x64x128xf32>
    %swap3A_402 = vector.shape_cast %swap3A_401 : vector<1x64x128xf32> to vector<64x128xf32>
    %swap3A_403 = vector.shape_cast %slice3A_397 : vector<64x128xf32> to vector<1x64x128xf32>
    tpu.vector_store %arg2[%swap3A_398, %swap3A_399, %swap3A_400], %swap3A_403 {strides = array<i32>} : memref<50x64x128xf32, #tpu.memory_space<vmem>>, vector<1x64x128xf32>,
    %slice3A_404 = vector.extract_strided_slice %dot_general3A_396 {offsets = [64, 0], sizes = [64, 128], strides = [1, 1]} : vector<128x128xf32> to vector<64x128xf32>
    %swap3A_405 = arith.constant 47 : index
    %swap3A_406 = arith.constant 0 : index
    %swap3A_407 = arith.constant 0 : index
    %swap3A_408 = vector.load %arg2[%swap3A_405, %swap3A_406, %swap3A_407] : memref<50x64x128xf32, #tpu.memory_space<vmem>>, vector<1x64x128xf32>
    %swap3A_409 = vector.shape_cast %swap3A_408 : vector<1x64x128xf32> to vector<64x128xf32>
    %swap3A_410 = vector.shape_cast %slice3A_404 : vector<64x128xf32> to vector<1x64x128xf32>
    tpu.vector_store %arg2[%swap3A_405, %swap3A_406, %swap3A_407], %swap3A_410 {strides = array<i32>} : memref<50x64x128xf32, #tpu.memory_space<vmem>>, vector<1x64x128xf32>,
    %slice3A_411 = vector.extract_strided_slice %get3A_1 {offsets = [3072, 0], sizes = [128, 128], strides = [1, 1]} : vector<3200x128xf32> to vector<128x128xf32>
    %dot_general3A_412 = arith.constant dense<0.000000e+00> : vector<128x128xf32>
    %dot_general3A_413 = tpu.matmul %slice3A_411, %convert_element_type3A_5, %dot_general3A_412 {dimension_numbers = #tpu.dot_dimension_numbers<[0], [0], [1], [1], [0, 1, 1, 1], [], []>, transpose_lhs_hint = false} : vector<128x128xf32>, vector<128x128xf32>, vector<128x128xf32> -> vector<128x128xf32>
    %slice3A_414 = vector.extract_strided_slice %dot_general3A_413 {offsets = [0, 0], sizes = [64, 128], strides = [1, 1]} : vector<128x128xf32> to vector<64x128xf32>
    %swap3A_415 = arith.constant 48 : index
    %swap3A_416 = arith.constant 0 : index
    %swap3A_417 = arith.constant 0 : index
    %swap3A_418 = vector.load %arg2[%swap3A_415, %swap3A_416, %swap3A_417] : memref<50x64x128xf32, #tpu.memory_space<vmem>>, vector<1x64x128xf32>
    %swap3A_419 = vector.shape_cast %swap3A_418 : vector<1x64x128xf32> to vector<64x128xf32>
    %swap3A_420 = vector.shape_cast %slice3A_414 : vector<64x128xf32> to vector<1x64x128xf32>
    tpu.vector_store %arg2[%swap3A_415, %swap3A_416, %swap3A_417], %swap3A_420 {strides = array<i32>} : memref<50x64x128xf32, #tpu.memory_space<vmem>>, vector<1x64x128xf32>,
    %slice3A_421 = vector.extract_strided_slice %dot_general3A_413 {offsets = [64, 0], sizes = [64, 128], strides = [1, 1]} : vector<128x128xf32> to vector<64x128xf32>
    %swap3A_422 = arith.constant 49 : index
    %swap3A_423 = arith.constant 0 : index
    %swap3A_424 = arith.constant 0 : index
    %swap3A_425 = vector.load %arg2[%swap3A_422, %swap3A_423, %swap3A_424] : memref<50x64x128xf32, #tpu.memory_space<vmem>>, vector<1x64x128xf32>
    %swap3A_426 = vector.shape_cast %swap3A_425 : vector<1x64x128xf32> to vector<64x128xf32>
    %swap3A_427 = vector.shape_cast %slice3A_421 : vector<64x128xf32> to vector<1x64x128xf32>
    tpu.vector_store %arg2[%swap3A_422, %swap3A_423, %swap3A_424], %swap3A_427 {strides = array<i32>} : memref<50x64x128xf32, #tpu.memory_space<vmem>>, vector<1x64x128xf32>,
    return
  }
  func.func @transform_0(%arg0: i32) -> (i32, i32) {
    %c0_i32 = arith.constant 0 : i32
    %c0_i32_0 = arith.constant 0 : i32
    return %arg0, %c0_i32 : i32, i32
  }
  func.func @transform_1(%arg0: i32) -> (i32, i32, i32) {
    %c0_i32 = arith.constant 0 : i32
    %c0_i32_0 = arith.constant 0 : i32
    %c0_i32_1 = arith.constant 0 : i32
    return %c0_i32, %c0_i32_0, %arg0 : i32, i32, i32
  }
}

</mosaic_0001>

<sc_bundles>
// kernel: kernel.5.cloned.1.call-start
scs
__scs_entry_jumppad:
0x0: {  	(pc) =	sbr.rel $0x88, $3  }
0x1: {  	(tag) =	ssettag $0x0;
	lr =	simm.s32 $0x1  }
0x2: {  	[smem:$0x3F9F] =	sst lr;
	_ =	strace $0xD0000000  }
0x3: {  	_ = 	snop  }
0x4: {  	_ = 	snop  }
0x5: {  	_ = 	snop  }
0x6: {  	_ = 	snop  }
0x7: {  	_ = 	snop  }
__scs_overlays_trampoline_lowered:
0x8: {  	[smem:$0x3FAE] =	sst s0  }
0x9: {  	[smem:$0x3FAF] =	sst s1  }
0xa: {  	[smem:$0x3FB0] =	sst s2  }
0xb: {  	[smem:$0x3FB1] =	sst s3  }
0xc: {  	[smem:$0x3FB2] =	sst s4  }
0xd: {  	[smem:$0x3FB3] =	sst s5  }
0xe: {  	[smem:$0x3FB4] =	sst s6  }
0xf: {  	[smem:$0x3FB5] =	sst s7  }
0x10: {  	[smem:$0x3FB6] =	sst s8  }
0x11: {  	[smem:$0x3FB7] =	sst s9;
	s0 =	simm.s32 @!p0 $0x0  }
0x12: {  	s1 =	sld [smem:$0x3F9D];
	s0 =	simm.s32 @p0 $0x1  }
0x13: {  	[smem:$0x3FB8] =	sst s0;
	s0 =	simm.s32 @!p1 $0x0  }
0x14: {  	s2 =	sld [smem:$0x3F9C];
	s0 =	simm.s32 @p1 $0x1  }
0x15: {  	[smem:$0x3FB9] =	sst s0;
	s0 =	simm.s32 @!p2 $0x0  }
0x16: {  	s3 =	sld [smem:$0x3FDB];
	s0 =	simm.s32 @p2 $0x1  }
0x17: {  	s4 =	simm.s32 $0x1BF5;
	[smem:$0x3FBB] =	sst s0  }
0x18: {  	s0 =	sld [smem:$0x3F9E];
	_ =	swait.ge [sflag:s4], $0x0  }
0x19: {  	s7 =	sld [smem:$0x3F9F]  }
0x1a: {  	s8 =	sadd.s32 $0xFFFFE003, lr  }
0x1b: {  	s9 =	sadd.s32 $0xFFFFFEF7, lr;
	s5 =	simm.s32 $0xFFFFFFFF;
	p2 =	slt.u32 s8, $0xFFFFF086  }
0x1c: {  	p1 =	slt.u32 s9, $0xF7A;
	s5 =	simm.s32 @!p2 $0x0  }
0x1d: {  	s5 =	simm.s32 @p1 $0x1;
	p0 =	seq.s32 s7, s2  }
0x1e: {  	s7 =	smul.u32 @!p0 $0xF7A, s2;
	p2 =	seq.s32 @!p0 s5, $0x0  }
0x1f: {  	s9 =	smul.u32 $0xF7A, s1;
	s8 =	simm.s32 @!p0 $0x1BF5;
	p2 =	por !p2, p0  }
0x20: {  	[sflag:s8] =	ssyncset.s32 @!p0 $0xFFFFF086;
	s6 =	sadd.s32 @!p0 s3, s7;
	s7 =	simm.s32 @!p0 $0x108  }
0x21: {  	s3 =	sadd.s32 s3, s9;
	s6 =	sadd.s32 @!p0 $0x88, s6;
	s7 =	simm.s32 @p2 $0x1082  }
0x22: {  	[simem:s7], [sflag:s8] =	dma.local @!p0 [hbm:s6], $0xF7A  }
0x23: {  	s9 =	sor.u32 $0xD0000000, s2;
	s6 =	simm.s32 $0x108;
	_ =	swait.ge @!p0 [sflag:s8], $0x0  }
0x24: {  	s3 =	sadd.s32 $0x88, s3;
	s6 =	simm.s32 @!p1 $0x1082;
	[sflag:s4] =	ssyncset.s32 $0xFFFFF086  }
0x25: {  	[simem:s6], [sflag:s4] =	dma.local [hbm:s3], $0xF7A  }
0x26: {  	[smem:$0x3F9F] =	sst s1;
	(tag) =	ssettag s2;
	_ =	strace s9  }
0x27: {  	s1 =	sld [smem:$0x3FAF]  }
0x28: {  	s2 =	sld [smem:$0x3FB0]  }
0x29: {  	s4 =	sld [smem:$0x3FB2]  }
0x2a: {  	p0 =	seq.s32 s5, $0x0;
	s5 =	sld [smem:$0x3FB3]  }
0x2b: {  	s6 =	sld [smem:$0x3FB4]  }
0x2c: {  	s7 =	sld [smem:$0x3FB5]  }
0x2d: {  	s3 =	simm.s32 $0x108;
	s8 =	sld [smem:$0x3FB6]  }
0x2e: {  	s3 =	simm.s32 @!p0 $0x1082;
	s9 =	sld [smem:$0x3FB7]  }
0x2f: {  	lr =	sadd.s32 s0, s3;
	s0 =	sld [smem:$0x3FAE]  }
0x30: {  	s3 =	sld [smem:$0x3FB1]  }
0x31: {  	[smem:$0x3FBA] =	sst s10  }
0x32: {  	s10 =	sld [smem:$0x3FB8];
	_ =	sdelay $0x3  }
0x33: {  	p0 =	seq.s32 s10, $0x1;
	s10 =	sld [smem:$0x3FBA];
	_ =	sdelay $0x3  }
0x34: {  	[smem:$0x3FBA] =	sst s10  }
0x35: {  	s10 =	sld [smem:$0x3FB9];
	_ =	sdelay $0x3  }
0x36: {  	p1 =	seq.s32 s10, $0x1;
	s10 =	sld [smem:$0x3FBA];
	_ =	sdelay $0x3  }
0x37: {  	[smem:$0x3FBA] =	sst s10  }
0x38: {  	s10 =	sld [smem:$0x3FBB]  }
0x39: {  	_ = 	snop;
	(pc) =	sbr.ind lr, $3  }
0x3a: {  	_ = 	snop  }
0x3b: {  	_ = 	snop  }
0x3c: {  	p2 =	seq.s32 s10, $0x1;
	s10 =	sld [smem:$0x3FBA]  }
0x3d: {  	_ =	shalt  }
0x3e: {  	_ =	shalt  }
0x3f: {  	_ =	shalt  }
0x40: {  	_ =	shalt  }
0x41: {  	_ =	shalt  }
0x42: {  	_ =	shalt  }
0x43: {  	_ =	shalt  }
0x44: {  	_ =	shalt  }
0x45: {  	_ =	shalt  }
0x46: {  	_ =	shalt  }
0x47: {  	_ =	shalt  }
0x48: {  	_ =	shalt  }
0x49: {  	_ =	shalt  }
0x4a: {  	_ =	shalt  }
0x4b: {  	_ =	shalt  }
0x4c: {  	_ =	shalt  }
0x4d: {  	_ =	shalt  }
0x4e: {  	_ =	shalt  }
0x4f: {  	_ =	shalt  }
0x50: {  	_ =	shalt  }
0x51: {  	_ =	shalt  }
0x52: {  	_ =	shalt  }
0x53: {  	_ =	shalt  }
0x54: {  	_ =	shalt  }
0x55: {  	_ =	shalt  }
0x56: {  	_ =	shalt  }
0x57: {  	_ =	shalt  }
0x58: {  	_ =	shalt  }
0x59: {  	_ =	shalt  }
0x5a: {  	_ =	shalt  }
0x5b: {  	_ =	shalt  }
0x5c: {  	_ =	shalt  }
0x5d: {  	_ =	shalt  }
0x5e: {  	_ =	shalt  }
0x5f: {  	_ =	shalt  }
0x60: {  	_ =	shalt  }
0x61: {  	_ =	shalt  }
0x62: {  	_ =	shalt  }
0x63: {  	_ =	shalt  }
0x64: {  	_ =	shalt  }
0x65: {  	_ =	shalt  }
0x66: {  	_ =	shalt  }
0x67: {  	_ =	shalt  }
0x68: {  	_ =	shalt  }
0x69: {  	_ =	shalt  }
0x6a: {  	_ =	shalt  }
0x6b: {  	_ =	shalt  }
0x6c: {  	_ =	shalt  }
0x6d: {  	_ =	shalt  }
0x6e: {  	_ =	shalt  }
0x6f: {  	_ =	shalt  }
0x70: {  	_ =	shalt  }
0x71: {  	_ =	shalt  }
0x72: {  	_ =	shalt  }
0x73: {  	_ =	shalt  }
0x74: {  	_ =	shalt  }
0x75: {  	_ =	shalt  }
0x76: {  	_ =	shalt  }
0x77: {  	_ =	shalt  }
0x78: {  	_ =	shalt  }
0x79: {  	_ =	shalt  }
0x7a: {  	_ =	shalt  }
0x7b: {  	_ =	shalt  }
0x7c: {  	_ =	shalt  }
0x7d: {  	_ =	shalt  }
0x7e: {  	_ =	shalt  }
0x7f: {  	_ =	shalt  }
0x80: {  	_ =	shalt  }
0x81: {  	_ =	shalt  }
0x82: {  	_ =	shalt  }
0x83: {  	_ =	shalt  }
0x84: {  	_ =	shalt  }
0x85: {  	_ =	shalt  }
0x86: {  	_ =	shalt  }
0x87: {  	_ =	shalt  }
.Lfunc_end0:
.L_simem_size_0:
called_computation_lowered:
.L_overlay_start_0:
0x88: {  	s2 =	sld [smem:$0x3FD9]  }
0x89: {  	s3 =	sld [smem:$0x3FFE];
	_ =	sdelay $0x1  }
0x8a: {  	s1 =	srdreg.scid  }
0x8b: {  	s0 =	sand.u32 $0x1, s1  }
0x8c: {  	s17 =	sshll.u32 s0, $0xA;
	s2 =	sadd.s32 s3, s2  }
0x8d: {  	s2 =	sadd.s32 s2, s17  }
0x8e: {  	[smem:$0x3FC6] =	sst s2  }
0x8f: {  	_ = 	snop  }
0x90: {  	s2 =	sld [smem:$0x3FD0];
	(tm) =	ssettm $0x1  }
0x91: {  	s18 =	sld [smem:$0x3FFB];
	_ =	sdelay $0x3  }
0x92: {  	_ =	strace s18  }
0x93: {  	s3 =	sld [smem:$0x3FFC];
	_ =	sdelay $0x3  }
0x94: {  	_ =	strace s3  }
0x95: {  	s3 =	sld [smem:$0x3FFD];
	_ =	sdelay $0x3  }
0x96: {  	_ =	strace s3  }
0x97: {  	_ =	strace $0x8FFFFFFF  }
0x98: {  	s19 =	sld [smem:$0x3FDB];
	_ =	sdelay $0x1  }
0x99: {  	s4 =	simm.s32 $_scs_section_size  }
0x9a: {  	s5 =	simm.s32 $_size__tile_overlayer_lowered;
	s6 =	simm.s32 $_tile_overlayer_lowered  }
0x9b: {  	s22 =	simm.s32 $0x1BFF;
	s21 =	sshll.u32 s6, $0x1;
	s3 =	sadd.s32 s4, s19  }
0x9c: {  	s7 =	simm.s32 $0x0;
	s20 =	sshll.u32 s5, $0x1;
	s5 =	sadd.s32 s21, s3  }
0x9d: {  	[timem:s7], [sflag:s22] =	dma.local [hbm:s5], s20  }
0x9e: {  	_ =	swait.ge [sflag:s22], s20  }
0x9f: {  	s4 =	ssub.s32 $0x0, s20;
	[sflag:s22] =	ssyncset.done $0x0  }
0xa0: {  	[sflag:s22] =	ssyncadd.s32 s4;
	_ =	sdelay $0x1  }
0xa1: {  	s23 =	simm.s32 $0x1B8B  }
0xa2: {  	_ =	swait.ge [sflag:s23], $0x1  }
0xa3: {  	[sflag:s23] =	ssyncset.done $0x0  }
0xa4: {  	s25 =	simm.s32 $0x1B8E;
	s24 =	sld [smem:$0x3FFE];
	[sflag:s23] =	ssyncadd.s32 $0xFFFFFFFF  }
0xa5: {  	s26 =	simm.s32 $execute0_lowered;
	[smem:$0x3FD2] =	sst s25  }
0xa6: {  	s5 =	sshll.u32 s26, $0x1;
	_ =	strace $0x80000046;
	[dreg:$0x1] =	wrdreg $0xFFFFFFFF  }
0xa7: {  	s28 =	simm.s32 $_size_execute0_lowered;
	s3 =	sadd.s32 s3, s5;
	[dreg:$0x0] =	wrdreg $0x0  }
0xa8: {  	s5 =	sshll.u32 s28, $0x1;
	[dreg:$0x2] =	wrdreg s3  }
0xa9: {  	[dreg:$0x3] =	wrdreg s5  }
0xaa: {  	[dreg:$0x4] =	wrdreg $0xC0  }
0xab: {  	_ =	task [dreg:s7], $0x5FFFF  }
0xac: {  	[dreg:$0x1] =	wrdreg $0xFFFFFFFF  }
0xad: {  	[dreg:$0x0] =	wrdreg $0x60  }
0xae: {  	[dreg:$0x2] =	wrdreg s2  }
0xaf: {  	[dreg:$0x3] =	wrdreg s24  }
0xb0: {  	[dreg:$0x4] =	wrdreg $0x9  }
0xb1: {  	_ =	task.clear_ibuf [dreg:s7], $0x5FFFF;
	_ =	strace $0x90000046  }
0xb2: {  	s29 =	simm.s32 $0x9;
	_ =	strace $0x80000048  }
0xb3: {  	_ =	swait.ge [sflag:s29], $0x1  }
0xb4: {  	[sflag:s29] =	ssyncadd.s32 $0xFFFFFFFF  }
0xb5: {  	_ =	strace $0x90000048  }
0xb6: {  	_ =	sfence  }
0xb7: {  	s30 =	sld [smem:$0x0];
	_ =	sdelay $0x2  }
0xb8: {  	s31 =	sshll.u32 s1, $0xD;
	s1 =	sshrl.u32 s1, $0x2  }
0xb9: {  	s3 =	sand.u32 $0x4000, s31;
	s1 =	sadd.s32 s1, s30  }
0xba: {  	s0 =	sor.u32 s3, s0;
	s1 =	sshll.u32 s1, $0x11  }
0xbb: {  	s0 =	sor.u32 s1, s0  }
0xbc: {  	s0 =	sadd.s32 $0x8F2B, s0  }
0xbd: {  	[sflag:s0] =	ssyncadd.remote.s32 $0x1  }
0xbe: {  	_ =	sfence.sel $0xFFFF  }
0xbf: {  	[dreg:$0x0] =	wrdreg $0xFFFFFFFF;
	(pc) =	sbr.abs _section_cstart, $3  }
0xc0: {  	[dreg:$0x1] =	wrdreg $0xFFFFFFFF  }
0xc1: {  	_ =	task.clear_ibuf [dreg:s7], $0x2FFFF;
	_ =	strace $0x9FFFFFFF  }
0xc2: {  	(tm) =	ssettm $0x7FFFFFFF  }
0xc3: {  	_ =	shalt  }
tec
execute0_lowered:
.L_overlay_start_1:
0x0: {  	(tag) =	ssettag $0x1  }
0x1: {  	s7 =	rddreg [dreg:$0x0]  }
0x2: {  	s5 =	rddreg [dreg:$0x1]  }
0x3: {  	s0 =	rddreg [dreg:$0x2]  }
0x4: {  	s2 =	simm.s32 $0x0;
	s3 =	srdreg.scid;
	s1 =	stileid.u32  }
0x5: {  	s11 =	simm.s32 $0x6400;
	s12 =	simm.s32 $0xE400;
	s13 =	simm.s32 $0x1A400  }
0x6: {  	s14 =	simm.s32 $0x1;
	s15 =	simm.s32 $0x80;
	s16 =	simm.s32 $0x16400  }
0x7: {  	s17 =	simm.s32 $0x3;
	s18 =	simm.s32 $0x2;
	s19 =	simm.s32 $0x0  }
0x8: {  	s28 =	simm.s32 $0x6500;
	[smem:$0x7FF] =	sst s2;
	s4 =	sand.u32 $0x1, s3  }
0x9: {  	s31 =	sshll.u32 s1, $0x1;
	s3 =	sadd.s32 $0xCC00, s5;
	_ =	strace $0x80000047  }
0xa: {  	s6 =	sor.u32 s4, s31;
	s8 =	ssub.s32 $0x2, s4;
	s4 =	sadd.s32 $0x400, s5  }
0xb: {  	s5 =	sadd.s32 $0xF54C00, s5;
	s9 =	smul.u32 $0xC80, s6;
	s10 =	sshrl.u32 s8, $0x1  }
0xc: {  	s6 =	smul.u32 $0x64, s6;
	s8 =	ssub.s32 s8, s10;
	s10 =	simm.s32 $0x100  }
0xd: {  	s7 =	sadd.s32 s7, s9;
	s8 =	smax.u32 s8, $0x1;
	s9 =	simm.s32 $0x4  }
.LBB2_1:
0xe: {  	[tilespmem:s2], [sflag:$0x4] =	stream.linear.gather [hbm4b:s7+s2], $0x6400, $0x38;
	[tilespmem:$0x1A480] =	vst v63  }
0xf: {  	_ =	swait.ge [sflag:s9], $0x6400  }
0x10: {  	[sflag:s9] =	ssyncset.done $0x0  }
0x11: {  	s20 =	simm.s32 $0x0;
	[sflag:s9] =	ssyncadd.s32 $0xFFFF9C00  }
0x12: {  	[tilespmem:s11], [sflag:$0x1] =	stream.indirect.gather [hbm4b:s3+s10], $0x80, s2, s10, $0xb8;
	[tilespmem:$0x1A480] =	vst v63  }
.LBB2_2:
0x13: {  	s21 =	sshllo.u32 s20, $0x1  }
0x14: {  	s23 =	sshll.u32 s20, $0x1;
	s22 =	sshll.u32 s21, $0x8  }
0x15: {  	s31 =	sadd.s32 s6, s23;
	s22 =	sand.u32 $0x3FFFFF00, s22  }
0x16: {  	[tilespmem:s12], [sflag:$0x2] =	stream.indirect.gather [hbm4b:s3+s10], $0x80, s22, s10, $0xb8;
	[tilespmem:$0x1A480] =	vst v63  }
0x17: {  	s22 =	sshll.u32 s31, $0x4  }
0x18: {  	s22 =	sadd.s32 s4, s22  }
0x19: {  	[tilespmem:s13], [sflag:$0x4] =	stream.linear.gather [hbm4b:s22+s2], $0x80, $0x38;
	[tilespmem:$0x1A480] =	vst v63  }
0x1a: {  	_ =	swait.ge [sflag:s9], $0x80  }
0x1b: {  	[sflag:s9] =	ssyncset.done $0x0  }
0x1c: {  	[sflag:s9] =	ssyncadd.s32 $0xFFFFFF80  }
0x1d: {  	_ =	swait.ge [sflag:s14], $0x8000  }
0x1e: {  	[sflag:s14] =	ssyncset.done $0x0  }
0x1f: {  	[sflag:s14] =	ssyncadd.s32 $0xFFFF8000  }
0x20: {  	v0 =	vld [tilespmem:s28+$0x80];
	_ =	sdelay $0x3  }
0x21: {  	v1 =	vld [tilespmem:s28+$0xFFFFFF00]  }
0x22: {  	v2 =	vld [tilespmem:s28+$0xFFFFFF80];
	v0 =	vmul.f32 $8.000000000e+00, v0  }
0x23: {  	s22 =	simm.s32 $0x16480;
	v3 =	vld [tilespmem:s28+$0x0]  }
0x24: {  	[tilespmem:s22+$0x40] =	vst v0  }
0x25: {  	v0 =	vld [tilespmem:s28+$0x90]  }
0x26: {  	v1 =	vmul.f32 $8.000000000e+00, v1  }
0x27: {  	v2 =	vmul.f32 $8.000000000e+00, v2  }
0x28: {  	v3 =	vmul.f32 $8.000000000e+00, v3;
	[tilespmem:s22+$0xFFFFFF80] =	vst v1  }
0x29: {  	[tilespmem:s22+$0xFFFFFFC0] =	vst v2;
	v1 =	vld [tilespmem:s28+$0xFFFFFF10]  }
0x2a: {  	[tilespmem:s22+$0x0] =	vst v3;
	v2 =	vld [tilespmem:s28+$0xFFFFFF90];
	v0 =	vmul.f32 $8.000000000e+00, v0  }
0x2b: {  	s23 =	simm.s32 $0x6700;
	v3 =	vld [tilespmem:s28+$0x10]  }
0x2c: {  	[tilespmem:s22+$0x50] =	vst v0;
	v0 =	vld [tilespmem:s23+$0x80]  }
0x2d: {  	v4 =	vld [tilespmem:s28+$0xA0]  }
0x2e: {  	v5 =	vld [tilespmem:s23+$0xFFFFFF80];
	v1 =	vmul.f32 $8.000000000e+00, v1  }
0x2f: {  	v6 =	vld [tilespmem:s23+$0x0];
	v2 =	vmul.f32 $8.000000000e+00, v2  }
0x30: {  	v3 =	vmul.f32 $8.000000000e+00, v3;
	[tilespmem:s22+$0xFFFFFF90] =	vst v1;
	v1 =	vld [tilespmem:s23+$0xFFFFFF00]  }
0x31: {  	[tilespmem:s22+$0xFFFFFFD0] =	vst v2;
	v2 =	vld [tilespmem:s28+$0xFFFFFF20];
	v0 =	vmul.f32 $8.000000000e+00, v0  }
0x32: {  	s24 =	simm.s32 $0x16580;
	[tilespmem:s22+$0x10] =	vst v3;
	v7 =	vld [tilespmem:s28+$0xFFFFFFA0];
	v3 =	vmul.f32 $8.000000000e+00, v4  }
0x33: {  	v4 =	vmul.f32 $8.000000000e+00, v5;
	[tilespmem:s24+$0x40] =	vst v0;
	v0 =	vld [tilespmem:s28+$0x20]  }
0x34: {  	v5 =	vmul.f32 $8.000000000e+00, v6;
	v6 =	vld [tilespmem:s23+$0x90];
	[tilespmem:s22+$0x60] =	vst v3  }
0x35: {  	v1 =	vmul.f32 $8.000000000e+00, v1;
	[tilespmem:s24+$0xFFFFFFC0] =	vst v4;
	v8 =	vld [tilespmem:s28+$0xB0]  }
0x36: {  	v2 =	vmul.f32 $8.000000000e+00, v2;
	[tilespmem:s24+$0x0] =	vst v5;
	v9 =	vld [tilespmem:s23+$0xFFFFFF90]  }
0x37: {  	[tilespmem:s24+$0xFFFFFF80] =	vst v1;
	v5 =	vmul.f32 $8.000000000e+00, v7;
	v3 =	vld [tilespmem:s23+$0x10]  }
0x38: {  	v4 =	vld [tilespmem:s23+$0xFFFFFF10];
	[tilespmem:s22+$0xFFFFFFA0] =	vst v2;
	v2 =	vmul.f32 $8.000000000e+00, v0  }
0x39: {  	v1 =	vld [tilespmem:s28+$0xFFFFFF30];
	[tilespmem:s22+$0xFFFFFFE0] =	vst v5;
	v7 =	vmul.f32 $8.000000000e+00, v6  }
0x3a: {  	v0 =	vld [tilespmem:s28+$0xFFFFFFB0];
	[tilespmem:s22+$0x20] =	vst v2;
	v5 =	vmul.f32 $8.000000000e+00, v8  }
0x3b: {  	s25 =	simm.s32 $0x4;
	s26 =	simm.s32 $0x6900;
	v6 =	vmul.f32 $8.000000000e+00, v9;
	[tilespmem:s24+$0x50] =	vst v7;
	v2 =	vld [tilespmem:s28+$0x30]  }
.LBB2_3:
0x3c: {  	v7 =	vld [tilespmem:s26+$0x80];
	v3 =	vmul.f32 $8.000000000e+00, v3;
	[tilespmem:s22+$0x70] =	vst v5  }
0x3d: {  	s25 =	sadd.s32 $0x4, s25;
	v4 =	vmul.f32 $8.000000000e+00, v4;
	[tilespmem:s24+$0xFFFFFFD0] =	vst v6;
	v5 =	vld [tilespmem:s23+$0xA0]  }
0x3e: {  	p0 =	slt.u32 s25, $0xFC;
	v6 =	vld [tilespmem:s26+$0xFFFFFF80];
	[tilespmem:s24+$0x10] =	vst v3;
	v1 =	vmul.f32 $8.000000000e+00, v1  }
0x3f: {  	v3 =	vld [tilespmem:s26+$0x0];
	[tilespmem:s24+$0xFFFFFF90] =	vst v4;
	v0 =	vmul.f32 $8.000000000e+00, v0  }
0x40: {  	v4 =	vld [tilespmem:s26+$0xFFFFFF00];
	[tilespmem:s22+$0xFFFFFFB0] =	vst v1;
	v1 =	vmul.f32 $8.000000000e+00, v2  }
0x41: {  	v2 =	vmul.f32 $8.000000000e+00, v7;
	v7 =	vld [tilespmem:s23+$0xFFFFFF20];
	[tilespmem:s22+$0xFFFFFFF0] =	vst v0  }
0x42: {  	v0 =	vld [tilespmem:s23+$0xFFFFFFA0];
	v5 =	vmul.f32 $8.000000000e+00, v5;
	[tilespmem:s22+$0x30] =	vst v1;
	s22 =	smov.u32 s24;
	s24 =	sadd.s32 $0x100, s24  }
0x43: {  	v1 =	vmul.f32 $8.000000000e+00, v6;
	[tilespmem:s24+$0x40] =	vst v2;
	v2 =	vld [tilespmem:s23+$0x20]  }
0x44: {  	v3 =	vmul.f32 $8.000000000e+00, v3;
	v6 =	vld [tilespmem:s26+$0x90];
	[tilespmem:s22+$0x60] =	vst v5  }
0x45: {  	v4 =	vmul.f32 $8.000000000e+00, v4;
	[tilespmem:s24+$0xFFFFFFC0] =	vst v1;
	v5 =	vld [tilespmem:s23+$0xB0]  }
0x46: {  	v8 =	vld [tilespmem:s26+$0xFFFFFF90];
	[tilespmem:s24+$0x0] =	vst v3;
	v1 =	vmul.f32 $8.000000000e+00, v7  }
.Ltmp0:
0x47: {  	[tilespmem:s24+$0xFFFFFF80] =	vst v4;
	v3 =	vld [tilespmem:s26+$0x10];
	v0 =	vmul.f32 $8.000000000e+00, v0;
	(pc) =	sbr.rel @p0 .LBB2_3-.Ltmp0, $4  }
0x48: {  	v4 =	vld [tilespmem:s26+$0xFFFFFF10];
	[tilespmem:s22+$0xFFFFFFA0] =	vst v1;
	v2 =	vmul.f32 $8.000000000e+00, v2  }
0x49: {  	v7 =	vmul.f32 $8.000000000e+00, v6;
	v1 =	vld [tilespmem:s23+$0xFFFFFF30];
	[tilespmem:s22+$0xFFFFFFE0] =	vst v0  }
0x4a: {  	v0 =	vld [tilespmem:s23+$0xFFFFFFB0];
	[tilespmem:s22+$0x20] =	vst v2;
	v5 =	vmul.f32 $8.000000000e+00, v5  }
0x4b: {  	v6 =	vmul.f32 $8.000000000e+00, v8;
	[tilespmem:s24+$0x50] =	vst v7;
	v2 =	vld [tilespmem:s23+$0x30];
	s23 =	smov.u32 s26;
	s26 =	sadd.s32 $0x200, s26  }
0x4c: {  	_ = 	snop  }
0x4d: {  	v4 =	vmul.f32 $8.000000000e+00, v4;
	_ =	sdelay $0x1  }
0x4e: {  	v3 =	vmul.f32 $8.000000000e+00, v3;
	v7 =	vld [tilespmem:s23+$0xA0];
	[tilespmem:s24+$0xFFFFFF90] =	vst v4  }
0x4f: {  	[tilespmem:s24+$0xFFFFFFD0] =	vst v6;
	v4 =	vld [tilespmem:s23+$0xFFFFFF20]  }
0x50: {  	[tilespmem:s24+$0x10] =	vst v3;
	v3 =	vld [tilespmem:s23+$0xFFFFFFA0]  }
0x51: {  	v6 =	vld [tilespmem:s23+$0x20];
	_ =	sdelay $0x1  }
0x52: {  	v7 =	vmul.f32 $8.000000000e+00, v7  }
0x53: {  	v4 =	vmul.f32 $8.000000000e+00, v4  }
0x54: {  	[tilespmem:s24+$0x60] =	vst v7;
	v3 =	vmul.f32 $8.000000000e+00, v3  }
0x55: {  	v7 =	vld [tilespmem:s23+$0xB0];
	[tilespmem:s24+$0xFFFFFFA0] =	vst v4;
	v4 =	vmul.f32 $8.000000000e+00, v6  }
0x56: {  	[tilespmem:s24+$0xFFFFFFE0] =	vst v3;
	v6 =	vld [tilespmem:s23+$0xFFFFFF30]  }
0x57: {  	v1 =	vmul.f32 $8.000000000e+00, v1;
	v3 =	vld [tilespmem:s23+$0xFFFFFFB0];
	[tilespmem:s24+$0x20] =	vst v4  }
0x58: {  	[tilespmem:s22+$0x70] =	vst v5;
	v0 =	vmul.f32 $8.000000000e+00, v0;
	v4 =	vld [tilespmem:s23+$0x30]  }
0x59: {  	[tilespmem:s22+$0xFFFFFFB0] =	vst v1;
	v1 =	vmul.f32 $8.000000000e+00, v2  }
0x5a: {  	[tilespmem:s22+$0xFFFFFFF0] =	vst v0;
	v0 =	vmul.f32 $8.000000000e+00, v7  }
0x5b: {  	[tilespmem:s22+$0x30] =	vst v1;
	v1 =	vmul.f32 $8.000000000e+00, v6  }
0x5c: {  	[tilespmem:s24+$0x70] =	vst v0;
	v0 =	vmul.f32 $8.000000000e+00, v3  }
0x5d: {  	[tilespmem:s24+$0xFFFFFFB0] =	vst v1;
	v1 =	vmul.f32 $8.000000000e+00, v4  }
0x5e: {  	p0 =	seq.s32 s20, $0x31;
	[tilespmem:s24+$0xFFFFFFF0] =	vst v0  }
0x5f: {  	s21 =	sadd.s32 s6, s21;
	s22 =	sshll.u32 @!p0 s20, $0x9;
	[tilespmem:s24+$0x30] =	vst v1  }
0x60: {  	[hbm4b:s5+s15] =	stream.indirect.scatter [tilespmem:s16], [sflag:$0x3], $0x80, s13, s15, $0xb8;
	[tilespmem:$0x1A480] =	vst v63  }
0x61: {  	s21 =	sshll.u32 s21, $0x4;
	s22 =	sand.u32 @!p0 $0x3FFFFE00, s22;
	_ =	swait.ge [sflag:s17], $0x4000  }
0x62: {  	s21 =	sand.u32 $0xFFFFFF0, s21;
	s22 =	sadd.s32 @!p0 $0x200, s22;
	[sflag:s17] =	ssyncset.done $0x0  }
0x63: {  	s23 =	simm.s32 @!p0 $0x100;
	s24 =	simm.s32 @!p0 $0x6400;
	[sflag:s17] =	ssyncadd.s32 $0xFFFFC000  }
0x64: {  	[tilespmem:s24], [sflag:$0x1] =	stream.indirect.gather @!p0 [hbm4b:s3+s23], $0x80, s22, s23, $0xb8;
	[tilespmem:$0x1A480] =	vst v63  }
0x65: {  	s21 =	sadd.s32 s4, s21  }
0x66: {  	[tilespmem:s13], [sflag:$0x4] =	stream.linear.gather [hbm4b:s21+s2], $0x80, $0x38;
	[tilespmem:$0x1A480] =	vst v63  }
0x67: {  	_ =	swait.ge [sflag:s9], $0x80  }
0x68: {  	[sflag:s9] =	ssyncset.done $0x0  }
0x69: {  	[sflag:s9] =	ssyncadd.s32 $0xFFFFFF80  }
0x6a: {  	_ =	swait.ge [sflag:s18], $0x8000  }
0x6b: {  	[sflag:s18] =	ssyncset.done $0x0  }
0x6c: {  	s26 =	simm.s32 $0xE400;
	[sflag:s18] =	ssyncadd.s32 $0xFFFF8000  }
0x6d: {  	v0 =	vld [tilespmem:s26+$0x180];
	_ =	sdelay $0x3  }
0x6e: {  	v1 =	vld [tilespmem:s26+$0x0]  }
0x6f: {  	v2 =	vld [tilespmem:s26+$0x80];
	v0 =	vmul.f32 $8.000000000e+00, v0  }
0x70: {  	s21 =	simm.s32 $0x16480;
	v3 =	vld [tilespmem:s26+$0x100]  }
0x71: {  	[tilespmem:s21+$0x40] =	vst v0  }
0x72: {  	v0 =	vld [tilespmem:s26+$0x190]  }
0x73: {  	v1 =	vmul.f32 $8.000000000e+00, v1  }
0x74: {  	v2 =	vmul.f32 $8.000000000e+00, v2  }
0x75: {  	v3 =	vmul.f32 $8.000000000e+00, v3;
	[tilespmem:s21+$0xFFFFFF80] =	vst v1  }
0x76: {  	[tilespmem:s21+$0xFFFFFFC0] =	vst v2;
	v1 =	vld [tilespmem:s26+$0x10]  }
0x77: {  	[tilespmem:s21+$0x0] =	vst v3;
	v2 =	vld [tilespmem:s26+$0x90];
	v0 =	vmul.f32 $8.000000000e+00, v0  }
0x78: {  	s22 =	simm.s32 $0xE600;
	v3 =	vld [tilespmem:s26+$0x110]  }
0x79: {  	[tilespmem:s21+$0x50] =	vst v0;
	v0 =	vld [tilespmem:s22+$0x180]  }
0x7a: {  	v4 =	vld [tilespmem:s26+$0x1A0]  }
0x7b: {  	v5 =	vld [tilespmem:s22+$0x80];
	v1 =	vmul.f32 $8.000000000e+00, v1  }
0x7c: {  	v6 =	vld [tilespmem:s22+$0x100];
	v2 =	vmul.f32 $8.000000000e+00, v2  }
0x7d: {  	v3 =	vmul.f32 $8.000000000e+00, v3;
	[tilespmem:s21+$0xFFFFFF90] =	vst v1;
	v1 =	vld [tilespmem:s22+$0x0]  }
0x7e: {  	[tilespmem:s21+$0xFFFFFFD0] =	vst v2;
	v2 =	vld [tilespmem:s26+$0x20];
	v0 =	vmul.f32 $8.000000000e+00, v0  }
0x7f: {  	s23 =	simm.s32 $0x16580;
	[tilespmem:s21+$0x10] =	vst v3;
	v7 =	vld [tilespmem:s26+$0xA0];
	v3 =	vmul.f32 $8.000000000e+00, v4  }
0x80: {  	v4 =	vmul.f32 $8.000000000e+00, v5;
	[tilespmem:s23+$0x40] =	vst v0;
	v0 =	vld [tilespmem:s26+$0x120]  }
0x81: {  	v5 =	vmul.f32 $8.000000000e+00, v6;
	v6 =	vld [tilespmem:s22+$0x190];
	[tilespmem:s21+$0x60] =	vst v3  }
0x82: {  	v1 =	vmul.f32 $8.000000000e+00, v1;
	[tilespmem:s23+$0xFFFFFFC0] =	vst v4;
	v8 =	vld [tilespmem:s26+$0x1B0]  }
0x83: {  	v2 =	vmul.f32 $8.000000000e+00, v2;
	[tilespmem:s23+$0x0] =	vst v5;
	v9 =	vld [tilespmem:s22+$0x90]  }
0x84: {  	[tilespmem:s23+$0xFFFFFF80] =	vst v1;
	v5 =	vmul.f32 $8.000000000e+00, v7;
	v3 =	vld [tilespmem:s22+$0x110]  }
0x85: {  	v4 =	vld [tilespmem:s22+$0x10];
	[tilespmem:s21+$0xFFFFFFA0] =	vst v2;
	v2 =	vmul.f32 $8.000000000e+00, v0  }
0x86: {  	v1 =	vld [tilespmem:s26+$0x30];
	[tilespmem:s21+$0xFFFFFFE0] =	vst v5;
	v7 =	vmul.f32 $8.000000000e+00, v6  }
0x87: {  	v0 =	vld [tilespmem:s26+$0xB0];
	[tilespmem:s21+$0x20] =	vst v2;
	v5 =	vmul.f32 $8.000000000e+00, v8  }
0x88: {  	s25 =	simm.s32 $0xE800;
	s24 =	simm.s32 $0x4;
	v6 =	vmul.f32 $8.000000000e+00, v9;
	[tilespmem:s23+$0x50] =	vst v7;
	v2 =	vld [tilespmem:s26+$0x130]  }
.LBB2_5:
0x89: {  	v7 =	vld [tilespmem:s25+$0x180];
	v3 =	vmul.f32 $8.000000000e+00, v3;
	[tilespmem:s21+$0x70] =	vst v5  }
0x8a: {  	s24 =	sadd.s32 $0x4, s24;
	v4 =	vmul.f32 $8.000000000e+00, v4;
	[tilespmem:s23+$0xFFFFFFD0] =	vst v6;
	v5 =	vld [tilespmem:s22+$0x1A0]  }
0x8b: {  	p0 =	slt.u32 s24, $0xFC;
	v6 =	vld [tilespmem:s25+$0x80];
	[tilespmem:s23+$0x10] =	vst v3;
	v1 =	vmul.f32 $8.000000000e+00, v1  }
0x8c: {  	v3 =	vld [tilespmem:s25+$0x100];
	[tilespmem:s23+$0xFFFFFF90] =	vst v4;
	v0 =	vmul.f32 $8.000000000e+00, v0  }
0x8d: {  	v4 =	vld [tilespmem:s25+$0x0];
	[tilespmem:s21+$0xFFFFFFB0] =	vst v1;
	v1 =	vmul.f32 $8.000000000e+00, v2  }
0x8e: {  	v2 =	vmul.f32 $8.000000000e+00, v7;
	v7 =	vld [tilespmem:s22+$0x20];
	[tilespmem:s21+$0xFFFFFFF0] =	vst v0  }
0x8f: {  	v0 =	vld [tilespmem:s22+$0xA0];
	v5 =	vmul.f32 $8.000000000e+00, v5;
	[tilespmem:s21+$0x30] =	vst v1;
	s21 =	smov.u32 s23;
	s23 =	sadd.s32 $0x100, s23  }
0x90: {  	v1 =	vmul.f32 $8.000000000e+00, v6;
	[tilespmem:s23+$0x40] =	vst v2;
	v2 =	vld [tilespmem:s22+$0x120]  }
0x91: {  	v3 =	vmul.f32 $8.000000000e+00, v3;
	v6 =	vld [tilespmem:s25+$0x190];
	[tilespmem:s21+$0x60] =	vst v5  }
0x92: {  	v4 =	vmul.f32 $8.000000000e+00, v4;
	[tilespmem:s23+$0xFFFFFFC0] =	vst v1;
	v5 =	vld [tilespmem:s22+$0x1B0]  }
0x93: {  	v8 =	vld [tilespmem:s25+$0x90];
	[tilespmem:s23+$0x0] =	vst v3;
	v1 =	vmul.f32 $8.000000000e+00, v7  }
.Ltmp1:
0x94: {  	[tilespmem:s23+$0xFFFFFF80] =	vst v4;
	v3 =	vld [tilespmem:s25+$0x110];
	v0 =	vmul.f32 $8.000000000e+00, v0;
	(pc) =	sbr.rel @p0 .LBB2_5-.Ltmp1, $4  }
0x95: {  	v4 =	vld [tilespmem:s25+$0x10];
	[tilespmem:s21+$0xFFFFFFA0] =	vst v1;
	v2 =	vmul.f32 $8.000000000e+00, v2  }
0x96: {  	v7 =	vmul.f32 $8.000000000e+00, v6;
	v1 =	vld [tilespmem:s22+$0x30];
	[tilespmem:s21+$0xFFFFFFE0] =	vst v0  }
0x97: {  	v0 =	vld [tilespmem:s22+$0xB0];
	[tilespmem:s21+$0x20] =	vst v2;
	v5 =	vmul.f32 $8.000000000e+00, v5  }
0x98: {  	v6 =	vmul.f32 $8.000000000e+00, v8;
	[tilespmem:s23+$0x50] =	vst v7;
	v2 =	vld [tilespmem:s22+$0x130];
	s22 =	smov.u32 s25;
	s25 =	sadd.s32 $0x200, s25  }
0x99: {  	v3 =	vmul.f32 $8.000000000e+00, v3  }
0x9a: {  	v7 =	vld [tilespmem:s22+$0x1A0];
	v4 =	vmul.f32 $8.000000000e+00, v4;
	[tilespmem:s23+$0xFFFFFFD0] =	vst v6  }
0x9b: {  	[tilespmem:s23+$0x10] =	vst v3;
	v53 =	vld [tilespmem:s22+$0xA0]  }
0x9c: {  	[tilespmem:s23+$0xFFFFFF90] =	vst v4;
	v54 =	vld [tilespmem:s22+$0x120]  }
0x9d: {  	v4 =	vld [tilespmem:s22+$0x20];
	_ =	sdelay $0x1  }
0x9e: {  	v7 =	vmul.f32 $8.000000000e+00, v7  }
0x9f: {  	v3 =	vmul.f32 $8.000000000e+00, v53  }
0xa0: {  	[tilespmem:s23+$0x60] =	vst v7;
	v6 =	vmul.f32 $8.000000000e+00, v54  }
0xa1: {  	v55 =	vld [tilespmem:s22+$0x1B0];
	v4 =	vmul.f32 $8.000000000e+00, v4;
	[tilespmem:s23+$0xFFFFFFE0] =	vst v3  }
0xa2: {  	[tilespmem:s23+$0x20] =	vst v6;
	v57 =	vld [tilespmem:s22+$0xB0]  }
0xa3: {  	v1 =	vmul.f32 $8.000000000e+00, v1;
	[tilespmem:s23+$0xFFFFFFA0] =	vst v4;
	v58 =	vld [tilespmem:s22+$0x130]  }
0xa4: {  	[tilespmem:s21+$0x70] =	vst v5;
	v0 =	vmul.f32 $8.000000000e+00, v0;
	v56 =	vld [tilespmem:s22+$0x30]  }
0xa5: {  	[tilespmem:s21+$0xFFFFFFB0] =	vst v1;
	v59 =	vmul.f32 $8.000000000e+00, v2  }
0xa6: {  	[tilespmem:s21+$0xFFFFFFF0] =	vst v0;
	v60 =	vmul.f32 $8.000000000e+00, v55  }
0xa7: {  	[tilespmem:s21+$0x30] =	vst v59;
	v62 =	vmul.f32 $8.000000000e+00, v57  }
0xa8: {  	[tilespmem:s23+$0x70] =	vst v60;
	v63 =	vmul.f32 $8.000000000e+00, v58  }
0xa9: {  	s20 =	sadd.s32 $0x1, s20;
	v61 =	vmul.f32 $8.000000000e+00, v56;
	[tilespmem:s23+$0xFFFFFFF0] =	vst v62  }
0xaa: {  	p0 =	sne.s32 s20, $0x32;
	[tilespmem:s23+$0x30] =	vst v63  }
.Ltmp2:
0xab: {  	[tilespmem:s23+$0xFFFFFFB0] =	vst v61;
	(pc) =	sbr.rel @p0 .LBB2_2-.Ltmp2, $4  }
0xac: {  	[hbm4b:s5+s15] =	stream.indirect.scatter [tilespmem:s16], [sflag:$0x3], $0x80, s13, s15, $0xb8;
	[tilespmem:$0x1A480] =	vst v63  }
0xad: {  	_ =	swait.ge [sflag:s17], $0x4000  }
0xae: {  	[sflag:s17] =	ssyncset.done $0x0  }
0xaf: {  	[sflag:s17] =	ssyncadd.s32 $0xFFFFC000  }
0xb0: {  	s19 =	sadd.s32 $0x1, s19  }
0xb1: {  	p0 =	sne.s32 s19, s8  }
.Ltmp3:
0xb2: {  	_ = 	snop;
	(pc) =	sbr.rel @p0 .LBB2_1-.Ltmp3, $1  }
0xb3: {  	_ =	sdelay $0x3  }
0xb4: {  	_ =	sfence.sel $0x180000  }
0xb5: {  	[bflag:$0x0] =	sbarrier.arrive $0xFFFF  }
0xb6: {  	p0 =	sne.s32 s1, $0x0;
	_ =	strace $0x90000047  }
0xb7: {  	s0 =	sadd.s32 @!p0 $0x100000, s0;
	[bflag:$0x2] =	sbarrier.arrive $0xFFFF  }
0xb8: {  	[sflag:s0] =	ssyncadd.tile.s32 @!p0 $0x1;
	_ =	shalt  }
.Lfunc_end2:
_tile_overlayer_lowered:
.L_overlay_start_2:
0xb9: {  	(tag) =	ssettag $0x2  }
0xba: {  	s0 =	rddreg [dreg:$0x0];
	s2 =	stileid.u32  }
0xbb: {  	s1 =	rddreg [dreg:$0x1];
	p0 =	sne.s32 s2, $0x0  }
0xbc: {  	s3 =	rddreg [dreg:$0x2];
	[bflag:$0x3] =	sbarrier.arrive $0xFFFF;
	s2 =	simm.s32 @!p0 $0x1C04  }
0xbd: {  	[timem:s3], [sflag:s2] =	dma.local @!p0 [hbm:s0], s1  }
0xbe: {  	s0 =	simm.s32 @!p0 $0x4  }
0xbf: {  	_ =	swait.ge @!p0 [sflag:s0], s1  }
0xc0: {  	s1 =	ssub.s32 @!p0 $0x0, s1;
	[sflag:s0] =	ssyncset.done @!p0 $0x0  }
0xc1: {  	[sflag:s0] =	ssyncadd.s32 @!p0 s1  }
0xc2: {  	[bflag:$0x3] =	sbarrier.arrive $0xFFFF  }
0xc3: {  	_ =	shalt  }

</sc_bundles>
